<compile_context>
chip_gen: v7x
topology: tpu7x:2x2x1
jax: 0.10.2.dev20260603
libtpu: 0.0.44.dev20260713+nightly
codegen_flags: <defaults>
</compile_context>

<pallas_src>
import functools

import jax
import jax.numpy as jnp
from jax import lax
from jax.experimental import pallas as pl
from jax.experimental.pallas import tpu as pltpu
from jax.experimental.pallas import tpu_sc as plsc

F = 128
CHUNK = 128
MM_BLK = 1000


def _matmul_body(x_ref, w_ref, out_ref):
    out_ref[...] = jnp.dot(x_ref[...], w_ref[...],
                           preferred_element_type=jnp.float32)


def _matmul(x, w):
    n, f = x.shape
    return pl.pallas_call(
        _matmul_body,
        grid=(n // MM_BLK,),
        in_specs=[
            pl.BlockSpec((MM_BLK, f), lambda i: (i, 0)),
            pl.BlockSpec((f, f), lambda i: (0, 0)),
        ],
        out_specs=pl.BlockSpec((MM_BLK, f), lambda i: (i, 0)),
        out_shape=jax.ShapeDtypeStruct((n, f), jnp.float32),
    )(x, w)


def _combine_body(p0_ref, p1_ref, b_ref, out_ref):
    out_ref[...] = p0_ref[0] + p1_ref[0] + b_ref[...]


def _combine(partials, bias, n):
    f = partials.shape[2]
    return pl.pallas_call(
        _combine_body,
        grid=(n // MM_BLK,),
        in_specs=[
            pl.BlockSpec((1, MM_BLK, f), lambda i: (0, i, 0)),
            pl.BlockSpec((1, MM_BLK, f), lambda i: (1, i, 0)),
            pl.BlockSpec((1, f), lambda i: (0, 0)),
        ],
        out_specs=pl.BlockSpec((MM_BLK, f), lambda i: (i, 0)),
        out_shape=jax.ShapeDtypeStruct((n, f), jnp.float32),
    )(partials, partials, bias.reshape(1, f))


@functools.cache
def _make_sc_agg(n_nodes, nchunks, f):
    info = plsc.get_sparse_core_info()
    nc, ns = info.num_cores, info.num_subcores
    nw = nc * ns
    cpw = nchunks // nw
    zrows = ((n_nodes // ns) + 8 + 7) // 8 * 8
    acc_rows = ns * zrows

    mesh = plsc.VectorSubcoreMesh(core_axis_name="c", subcore_axis_name="s")

    nb = 2
    ib = 16
    assert cpw % ib == 0 and ib % nb == 0

    @functools.partial(
        pl.kernel,
        mesh=mesh,
        out_type=jax.ShapeDtypeStruct((nc, acc_rows, f), jnp.float32),
        scratch_types=[
            pltpu.VMEM((ib, CHUNK), jnp.int32),
            pltpu.VMEM((ib, CHUNK), jnp.int32),
            pltpu.VMEM((nb, CHUNK, f), jnp.float32),
            pltpu.VMEM_SHARED((acc_rows, f), jnp.float32),
        ]
        + [pltpu.SemaphoreType.DMA] * (2 * nb),
    )
    def agg(sup_hbm, src_hbm, dst_hbm, zero_hbm, out_hbm,
            src_v, dst_v, rows_v, acc, *rest):
        gsem = rest[:nb]
        ssem = rest[nb:]
        cid = lax.axis_index("c")
        sid = lax.axis_index("s")
        wid = sid * nc + cid
        pltpu.sync_copy(zero_hbm, acc.at[pl.ds(sid * zrows, zrows)])
        plsc.subcore_barrier()

        def gather(j, b, sem):
            return pltpu.async_copy(sup_hbm.at[src_v.at[j]],
                                    rows_v.at[b], sem)

        def round_body(r, carry):
            base = wid * cpw + r * ib
            pltpu.sync_copy(src_hbm.at[pl.ds(base, ib)], src_v)
            pltpu.sync_copy(dst_hbm.at[pl.ds(base, ib)], dst_v)
            for b in range(nb):
                gather(b, b, gsem[b])

            def body(i, carry2):
                for b in range(nb):
                    j = i * nb + b
                    pltpu.make_async_copy(sup_hbm.at[src_v.at[j]],
                                          rows_v.at[b], gsem[b]).wait()
                    pltpu.sync_copy(rows_v.at[b], acc.at[dst_v.at[j]],
                                    add=True)
                    jn = jnp.minimum(j + nb, ib - 1)
                    gather(jn, b, gsem[b])
                return carry2

            lax.fori_loop(0, ib // nb, body, 0)
            for b in range(nb):
                pltpu.make_async_copy(sup_hbm.at[src_v.at[ib - 1]],
                                      rows_v.at[b], gsem[b]).wait()
            return carry

        lax.fori_loop(0, cpw // ib, round_body, 0)
        plsc.subcore_barrier()
        pltpu.sync_copy(acc.at[pl.ds(sid * zrows, zrows)],
                        out_hbm.at[cid, pl.ds(sid * zrows, zrows)])

    return agg


def kernel(input, edge_index, weight, bias):
    n, f = input.shape
    e = edge_index.shape[1]
    support = _matmul(input, weight)

    ei = edge_index.astype(jnp.int32)
    nw = 32
    nchunks = -(-e // CHUNK)
    nchunks = -(-nchunks // (nw * 8)) * (nw * 8)
    epad = nchunks * CHUNK
    src = jnp.concatenate(
        [ei[1], jnp.zeros((epad - e,), jnp.int32)]).reshape(nchunks, CHUNK)
    dst = jnp.concatenate(
        [ei[0], jnp.full((epad - e,), n, jnp.int32)]).reshape(nchunks, CHUNK)

    agg = _make_sc_agg(n, nchunks, f)
    zrows = ((n // 16) + 8 + 7) // 8 * 8
    zeros = jnp.zeros((zrows, f), jnp.float32)
    partials = agg(support, src, dst, zeros)
    return _combine(partials, bias, n)

# --- scband reference (transcript-rebuilt; emitter-appended) ---
"""Pipeline reference for scband-graph-convolution2-39041252721109 (READ-ONLY COPY).

The authoritative reference and input builder live on the scoring server;
editing this copy changes nothing except your own understanding.
"""

import jax, jax.numpy as jnp
import numpy as np
import math

N_NODES = 10000
N_EDGES = 320000
IN_FEATURES = 128
OUT_FEATURES = 128


def setup_inputs(seed: int = 0) -> dict:
    key = jax.random.key(seed)
    k1, k2, k3, k4 = jax.random.split(key, 4)
    x = jax.random.normal(k1, (N_NODES, IN_FEATURES), dtype=jnp.float32)
    edge_index = jax.random.randint(k2, (2, N_EDGES), 0, N_NODES, dtype=jnp.int64)
    stdv = 1.0 / math.sqrt(OUT_FEATURES)
    weight = jax.random.uniform(k3, (IN_FEATURES, OUT_FEATURES), dtype=jnp.float32, minval=-stdv, maxval=stdv)
    bias = jax.random.uniform(k4, (OUT_FEATURES,), dtype=jnp.float32, minval=-stdv, maxval=stdv)
    return {"input": x, "edge_index": edge_index, "weight": weight, "bias": bias}


def reference(input, edge_index, weight, bias):
    # support = input @ W   (torch.mm)
    support = jnp.dot(input, weight)
    # output = spmm(adj, support) with binary sparse adjacency given as edge_index
    # adj[dst, src] = 1  =>  output[dst] = sum over incoming edges of support[src]
    src = edge_index[1]
    dst = edge_index[0]
    msgs = jnp.take(support, src, axis=0)
    output = jax.ops.segment_sum(msgs, dst, num_segments=input.shape[0])
    # bias add
    return output + bias

if __name__ == "__main__":
    import jax
    _d = setup_inputs()
    print(jax.jit(kernel)(*tuple(_d.values())))

</pallas_src>

<mosaic_0001>
#map = affine_map<(d0, d1) -> (0, 0)>
#map1 = affine_map<(d0, d1) -> (0, 0, 0)>
module attributes {stable_mosaic.version = 14 : i64} {
  func.func @agg(%arg0: i32, %arg1: i32, %arg2: memref<10000x128xf32, #tpu.memory_space<hbm>>, %arg3: memref<2560x128xi32, #tpu.memory_space<hbm>>, %arg4: memref<2560x128xi32, #tpu.memory_space<hbm>>, %arg5: memref<640x128xf32, #tpu.memory_space<hbm>>, %arg6: memref<2x10240x128xf32, #tpu.memory_space<hbm>>, %arg7: memref<16x128xi32, #tpu.memory_space<vmem>>, %arg8: memref<16x128xi32, #tpu.memory_space<vmem>>, %arg9: memref<2x128x128xf32, #tpu.memory_space<vmem>>, %arg10: memref<10240x128xf32, #tpu.memory_space<vmem_shared>>, %arg11: memref<!tpu.dma_semaphore, #tpu.memory_space<semaphore_mem>>, %arg12: memref<!tpu.dma_semaphore, #tpu.memory_space<semaphore_mem>>, %arg13: memref<!tpu.dma_semaphore, #tpu.memory_space<semaphore_mem>>, %arg14: memref<!tpu.dma_semaphore, #tpu.memory_space<semaphore_mem>>) attributes {dimension_semantics = [#tpu.dimension_semantics<core_parallel>, #tpu.dimension_semantics<subcore_parallel>], iteration_bounds = array<i64: 2, 16>, scalar_prefetch = 0 : i64, scratch_operands = 8 : i64, tpu.core_type = #tpu.core_type<sc_vector_subcore>, window_params = [{transform_indices = #map}, {transform_indices = #map}, {transform_indices = #map}, {transform_indices = #map}, {transform_indices = #map1}]} {
    %mul3A = arith.constant 2 : i32
    %mul3A_0 = arith.muli %arg1, %mul3A : i32
    %add3A = arith.addi %mul3A_0, %arg0 : i32
    %mul3A_1 = arith.constant 640 : i32
    %mul3A_2 = arith.muli %arg1, %mul3A_1 : i32
    "tpu.region"() ({
      %run_scoped3A = tpu.sem_alloc : memref<!tpu.dma_semaphore, #tpu.memory_space<semaphore_mem>>
      %dma_start3A = arith.constant 0 : i32
      %dma_start3A_13 = tpu.memref_slice %arg10[%mul3A_2, %dma_start3A] : memref<10240x128xf32, #tpu.memory_space<vmem_shared>> -> memref<640x128xf32, #tpu.memory_space<vmem_shared>>
      tpu.enqueue_dma source(%arg5 : memref<640x128xf32, #tpu.memory_space<hbm>>) target(%dma_start3A_13 : memref<640x128xf32, #tpu.memory_space<vmem_shared>>) target_semaphore(%run_scoped3A : memref<!tpu.dma_semaphore, #tpu.memory_space<semaphore_mem>>)
      %dma_wait3A = arith.constant 0 : i32
      %dma_wait3A_14 = tpu.memref_slice %arg10[%mul3A_2, %dma_wait3A] : memref<10240x128xf32, #tpu.memory_space<vmem_shared>> -> memref<640x128xf32, #tpu.memory_space<vmem_shared>>
      tpu.wait_dma2 semaphore(%run_scoped3A : memref<!tpu.dma_semaphore, #tpu.memory_space<semaphore_mem>>) src(%arg5 : memref<640x128xf32, #tpu.memory_space<hbm>>) dst(%dma_wait3A_14 : memref<640x128xf32, #tpu.memory_space<vmem_shared>>)
      tpu.yield
    }) : () -> ()
    %barrier3A = arith.constant 0 : index
    tpu.barrier barrier_id(%barrier3A)
    %scan3A = arith.constant 0 : i32
    %scan3A_3 = arith.constant 0 : i32
    %scan3A_4 = arith.constant 5 : i32
    %scan3A_5 = arith.addi %scan3A_3, %scan3A_4 : i32
    %scan3A_6 = arith.constant 1 : i32
    scf.for %scan3A_13 = %scan3A_3 to %scan3A_5 step %scan3A_6  : i32 {
      %mul3A_14 = arith.constant 80 : i32
      %mul3A_15 = arith.muli %add3A, %mul3A_14 : i32
      %mul3A_16 = arith.constant 16 : i32
      %mul3A_17 = arith.muli %scan3A_13, %mul3A_16 : i32
      %add3A_18 = arith.addi %mul3A_15, %mul3A_17 : i32
      "tpu.region"() ({
        %run_scoped3A = tpu.sem_alloc : memref<!tpu.dma_semaphore, #tpu.memory_space<semaphore_mem>>
        %dma_start3A_71 = arith.constant 0 : i32
        %dma_start3A_72 = tpu.memref_slice %arg3[%add3A_18, %dma_start3A_71] : memref<2560x128xi32, #tpu.memory_space<hbm>> -> memref<16x128xi32, #tpu.memory_space<hbm>>
        %dma_start3A_73 = arith.constant 0 : i32
        %dma_start3A_74 = tpu.memref_slice %arg3[%add3A_18, %dma_start3A_73] : memref<2560x128xi32, #tpu.memory_space<hbm>> -> memref<16x128xi32, #tpu.memory_space<hbm>>
        tpu.enqueue_dma source(%dma_start3A_74 : memref<16x128xi32, #tpu.memory_space<hbm>>) target(%arg7 : memref<16x128xi32, #tpu.memory_space<vmem>>) target_semaphore(%run_scoped3A : memref<!tpu.dma_semaphore, #tpu.memory_space<semaphore_mem>>)
        %dma_wait3A_75 = arith.constant 0 : i32
        %dma_wait3A_76 = tpu.memref_slice %arg3[%add3A_18, %dma_wait3A_75] : memref<2560x128xi32, #tpu.memory_space<hbm>> -> memref<16x128xi32, #tpu.memory_space<hbm>>
        %dma_wait3A_77 = arith.constant 0 : i32
        %dma_wait3A_78 = tpu.memref_slice %arg3[%add3A_18, %dma_wait3A_77] : memref<2560x128xi32, #tpu.memory_space<hbm>> -> memref<16x128xi32, #tpu.memory_space<hbm>>
        tpu.wait_dma2 semaphore(%run_scoped3A : memref<!tpu.dma_semaphore, #tpu.memory_space<semaphore_mem>>) src(%dma_wait3A_78 : memref<16x128xi32, #tpu.memory_space<hbm>>) dst(%arg7 : memref<16x128xi32, #tpu.memory_space<vmem>>)
        tpu.yield
      }) : () -> ()
      "tpu.region"() ({
        %run_scoped3A = tpu.sem_alloc : memref<!tpu.dma_semaphore, #tpu.memory_space<semaphore_mem>>
        %dma_start3A_71 = arith.constant 0 : i32
        %dma_start3A_72 = tpu.memref_slice %arg4[%add3A_18, %dma_start3A_71] : memref<2560x128xi32, #tpu.memory_space<hbm>> -> memref<16x128xi32, #tpu.memory_space<hbm>>
        %dma_start3A_73 = arith.constant 0 : i32
        %dma_start3A_74 = tpu.memref_slice %arg4[%add3A_18, %dma_start3A_73] : memref<2560x128xi32, #tpu.memory_space<hbm>> -> memref<16x128xi32, #tpu.memory_space<hbm>>
        tpu.enqueue_dma source(%dma_start3A_74 : memref<16x128xi32, #tpu.memory_space<hbm>>) target(%arg8 : memref<16x128xi32, #tpu.memory_space<vmem>>) target_semaphore(%run_scoped3A : memref<!tpu.dma_semaphore, #tpu.memory_space<semaphore_mem>>)
        %dma_wait3A_75 = arith.constant 0 : i32
        %dma_wait3A_76 = tpu.memref_slice %arg4[%add3A_18, %dma_wait3A_75] : memref<2560x128xi32, #tpu.memory_space<hbm>> -> memref<16x128xi32, #tpu.memory_space<hbm>>
        %dma_wait3A_77 = arith.constant 0 : i32
        %dma_wait3A_78 = tpu.memref_slice %arg4[%add3A_18, %dma_wait3A_77] : memref<2560x128xi32, #tpu.memory_space<hbm>> -> memref<16x128xi32, #tpu.memory_space<hbm>>
        tpu.wait_dma2 semaphore(%run_scoped3A : memref<!tpu.dma_semaphore, #tpu.memory_space<semaphore_mem>>) src(%dma_wait3A_78 : memref<16x128xi32, #tpu.memory_space<hbm>>) dst(%arg8 : memref<16x128xi32, #tpu.memory_space<vmem>>)
        tpu.yield
      }) : () -> ()
      %dma_start3A = arith.constant 0 : i32
      %dma_start3A_19 = arith.constant 0 : i32
      %dma_start3A_20 = arith.constant 0 : i32
      %dma_start3A_21 = arith.constant 0 : i32
      %dma_start3A_22 = tpu.memref_slice %arg9[%dma_start3A_19, %dma_start3A_20, %dma_start3A_21] : memref<2x128x128xf32, #tpu.memory_space<vmem>> -> memref<1x128x128xf32, #tpu.memory_space<vmem>>
      %dma_start3A_23 = tpu.memref_squeeze %dma_start3A_22 : memref<1x128x128xf32, #tpu.memory_space<vmem>> -> memref<128x128xf32, #tpu.memory_space<vmem>>
      %dma_start3A_24 = arith.constant 0 : i32
      %dma_start3A_25 = tpu.memref_slice %arg7[%dma_start3A, %dma_start3A_24] : memref<16x128xi32, #tpu.memory_space<vmem>> -> memref<1x128xi32, #tpu.memory_space<vmem>>
      %dma_start3A_26 = tpu.memref_squeeze %dma_start3A_25 : memref<1x128xi32, #tpu.memory_space<vmem>> -> memref<128xi32, #tpu.memory_space<vmem>>
      %dma_start3A_27 = arith.constant 0 : i32
      %dma_start3A_28 = arith.constant 0 : i32
      %dma_start3A_29 = tpu.memref_slice %arg2[%dma_start3A_27, %dma_start3A_28] : memref<10000x128xf32, #tpu.memory_space<hbm>> -> memref<10000x128xf32, #tpu.memory_space<hbm>>
      tpu.enqueue_indirect_dma source(%dma_start3A_29 : memref<10000x128xf32, #tpu.memory_space<hbm>>) target(%dma_start3A_23 : memref<128x128xf32, #tpu.memory_space<vmem>>) offsets(%dma_start3A_26 : memref<128xi32, #tpu.memory_space<vmem>>) semaphore(%arg11 : memref<!tpu.dma_semaphore, #tpu.memory_space<semaphore_mem>>)
      %dma_start3A_30 = arith.constant 1 : i32
      %dma_start3A_31 = arith.constant 1 : i32
      %dma_start3A_32 = arith.constant 0 : i32
      %dma_start3A_33 = arith.constant 0 : i32
      %dma_start3A_34 = tpu.memref_slice %arg9[%dma_start3A_31, %dma_start3A_32, %dma_start3A_33] : memref<2x128x128xf32, #tpu.memory_space<vmem>> -> memref<1x128x128xf32, #tpu.memory_space<vmem>>
      %dma_start3A_35 = tpu.memref_squeeze %dma_start3A_34 : memref<1x128x128xf32, #tpu.memory_space<vmem>> -> memref<128x128xf32, #tpu.memory_space<vmem>>
      %dma_start3A_36 = arith.constant 0 : i32
      %dma_start3A_37 = tpu.memref_slice %arg7[%dma_start3A_30, %dma_start3A_36] : memref<16x128xi32, #tpu.memory_space<vmem>> -> memref<1x128xi32, #tpu.memory_space<vmem>>
      %dma_start3A_38 = tpu.memref_squeeze %dma_start3A_37 : memref<1x128xi32, #tpu.memory_space<vmem>> -> memref<128xi32, #tpu.memory_space<vmem>>
      %dma_start3A_39 = arith.constant 0 : i32
      %dma_start3A_40 = arith.constant 0 : i32
      %dma_start3A_41 = tpu.memref_slice %arg2[%dma_start3A_39, %dma_start3A_40] : memref<10000x128xf32, #tpu.memory_space<hbm>> -> memref<10000x128xf32, #tpu.memory_space<hbm>>
      tpu.enqueue_indirect_dma source(%dma_start3A_41 : memref<10000x128xf32, #tpu.memory_space<hbm>>) target(%dma_start3A_35 : memref<128x128xf32, #tpu.memory_space<vmem>>) offsets(%dma_start3A_38 : memref<128xi32, #tpu.memory_space<vmem>>) semaphore(%arg12 : memref<!tpu.dma_semaphore, #tpu.memory_space<semaphore_mem>>)
      %scan3A_42 = arith.constant 0 : i32
      %scan3A_43 = arith.constant 0 : i32
      %scan3A_44 = arith.constant 8 : i32
      %scan3A_45 = arith.addi %scan3A_43, %scan3A_44 : i32
      %scan3A_46 = arith.constant 1 : i32
      scf.for %scan3A_71 = %scan3A_43 to %scan3A_45 step %scan3A_46  : i32 {
        %mul3A_72 = arith.constant 2 : i32
        %mul3A_73 = arith.muli %scan3A_71, %mul3A_72 : i32
        %add3A_74 = arith.constant 0 : i32
        %add3A_75 = arith.addi %mul3A_73, %add3A_74 : i32
        %dma_wait3A_76 = arith.constant 0 : i32
        %dma_wait3A_77 = arith.constant 0 : i32
        %dma_wait3A_78 = arith.constant 0 : i32
        %dma_wait3A_79 = tpu.memref_slice %arg9[%dma_wait3A_76, %dma_wait3A_77, %dma_wait3A_78] : memref<2x128x128xf32, #tpu.memory_space<vmem>> -> memref<1x128x128xf32, #tpu.memory_space<vmem>>
        %dma_wait3A_80 = tpu.memref_squeeze %dma_wait3A_79 : memref<1x128x128xf32, #tpu.memory_space<vmem>> -> memref<128x128xf32, #tpu.memory_space<vmem>>
        %dma_wait3A_81 = arith.constant 0 : i32
        %dma_wait3A_82 = tpu.memref_slice %arg7[%add3A_75, %dma_wait3A_81] : memref<16x128xi32, #tpu.memory_space<vmem>> -> memref<1x128xi32, #tpu.memory_space<vmem>>
        %dma_wait3A_83 = tpu.memref_squeeze %dma_wait3A_82 : memref<1x128xi32, #tpu.memory_space<vmem>> -> memref<128xi32, #tpu.memory_space<vmem>>
        %dma_wait3A_84 = arith.constant 0 : i32
        %dma_wait3A_85 = arith.constant 0 : i32
        %dma_wait3A_86 = tpu.memref_slice %arg2[%dma_wait3A_84, %dma_wait3A_85] : memref<10000x128xf32, #tpu.memory_space<hbm>> -> memref<10000x128xf32, #tpu.memory_space<hbm>>
        tpu.wait_indirect_dma semaphore(%arg11 : memref<!tpu.dma_semaphore, #tpu.memory_space<semaphore_mem>>) src(%dma_wait3A_86 : memref<10000x128xf32, #tpu.memory_space<hbm>>) dst(%dma_wait3A_80 : memref<128x128xf32, #tpu.memory_space<vmem>>)
        %run_scoped3A = arith.constant 0 : i32
        "tpu.region"() ({
          %run_scoped3A_132 = tpu.sem_alloc : memref<!tpu.dma_semaphore, #tpu.memory_space<semaphore_mem>>
          %dma_start3A_133 = arith.constant 0 : i32
          %dma_start3A_134 = arith.constant 0 : i32
          %dma_start3A_135 = tpu.memref_slice %arg9[%run_scoped3A, %dma_start3A_133, %dma_start3A_134] : memref<2x128x128xf32, #tpu.memory_space<vmem>> -> memref<1x128x128xf32, #tpu.memory_space<vmem>>
          %dma_start3A_136 = tpu.memref_squeeze %dma_start3A_135 : memref<1x128x128xf32, #tpu.memory_space<vmem>> -> memref<128x128xf32, #tpu.memory_space<vmem>>
          %dma_start3A_137 = arith.constant 0 : i32
          %dma_start3A_138 = tpu.memref_slice %arg8[%add3A_75, %dma_start3A_137] : memref<16x128xi32, #tpu.memory_space<vmem>> -> memref<1x128xi32, #tpu.memory_space<vmem>>
          %dma_start3A_139 = tpu.memref_squeeze %dma_start3A_138 : memref<1x128xi32, #tpu.memory_space<vmem>> -> memref<128xi32, #tpu.memory_space<vmem>>
          %dma_start3A_140 = arith.constant 0 : i32
          %dma_start3A_141 = arith.constant 0 : i32
          %dma_start3A_142 = tpu.memref_slice %arg10[%dma_start3A_140, %dma_start3A_141] : memref<10240x128xf32, #tpu.memory_space<vmem_shared>> -> memref<10240x128xf32, #tpu.memory_space<vmem_shared>>
          tpu.enqueue_indirect_dma source(%dma_start3A_136 : memref<128x128xf32, #tpu.memory_space<vmem>>) target(%dma_start3A_142 : memref<10240x128xf32, #tpu.memory_space<vmem_shared>>) offsets(%dma_start3A_139 : memref<128xi32, #tpu.memory_space<vmem>>) semaphore(%run_scoped3A_132 : memref<!tpu.dma_semaphore, #tpu.memory_space<semaphore_mem>>) {add = true}
          %dma_wait3A_143 = arith.constant 0 : i32
          %dma_wait3A_144 = arith.constant 0 : i32
          %dma_wait3A_145 = tpu.memref_slice %arg9[%run_scoped3A, %dma_wait3A_143, %dma_wait3A_144] : memref<2x128x128xf32, #tpu.memory_space<vmem>> -> memref<1x128x128xf32, #tpu.memory_space<vmem>>
          %dma_wait3A_146 = tpu.memref_squeeze %dma_wait3A_145 : memref<1x128x128xf32, #tpu.memory_space<vmem>> -> memref<128x128xf32, #tpu.memory_space<vmem>>
          %dma_wait3A_147 = arith.constant 0 : i32
          %dma_wait3A_148 = tpu.memref_slice %arg8[%add3A_75, %dma_wait3A_147] : memref<16x128xi32, #tpu.memory_space<vmem>> -> memref<1x128xi32, #tpu.memory_space<vmem>>
          %dma_wait3A_149 = tpu.memref_squeeze %dma_wait3A_148 : memref<1x128xi32, #tpu.memory_space<vmem>> -> memref<128xi32, #tpu.memory_space<vmem>>
          %dma_wait3A_150 = arith.constant 0 : i32
          %dma_wait3A_151 = arith.constant 0 : i32
          %dma_wait3A_152 = tpu.memref_slice %arg10[%dma_wait3A_150, %dma_wait3A_151] : memref<10240x128xf32, #tpu.memory_space<vmem_shared>> -> memref<10240x128xf32, #tpu.memory_space<vmem_shared>>
          tpu.wait_indirect_dma semaphore(%run_scoped3A_132 : memref<!tpu.dma_semaphore, #tpu.memory_space<semaphore_mem>>) src(%dma_wait3A_146 : memref<128x128xf32, #tpu.memory_space<vmem>>) dst(%dma_wait3A_152 : memref<10240x128xf32, #tpu.memory_space<vmem_shared>>)
          tpu.yield
        }) : () -> ()
        %add3A_87 = arith.constant 2 : i32
        %add3A_88 = arith.addi %add3A_75, %add3A_87 : i32
        %min3A = arith.constant 15 : i32
        %min3A_89 = arith.minsi %add3A_88, %min3A : i32
        %dma_start3A_90 = arith.constant 0 : i32
        %dma_start3A_91 = arith.constant 0 : i32
        %dma_start3A_92 = arith.constant 0 : i32
        %dma_start3A_93 = tpu.memref_slice %arg9[%dma_start3A_90, %dma_start3A_91, %dma_start3A_92] : memref<2x128x128xf32, #tpu.memory_space<vmem>> -> memref<1x128x128xf32, #tpu.memory_space<vmem>>
        %dma_start3A_94 = tpu.memref_squeeze %dma_start3A_93 : memref<1x128x128xf32, #tpu.memory_space<vmem>> -> memref<128x128xf32, #tpu.memory_space<vmem>>
        %dma_start3A_95 = arith.constant 0 : i32
        %dma_start3A_96 = tpu.memref_slice %arg7[%min3A_89, %dma_start3A_95] : memref<16x128xi32, #tpu.memory_space<vmem>> -> memref<1x128xi32, #tpu.memory_space<vmem>>
        %dma_start3A_97 = tpu.memref_squeeze %dma_start3A_96 : memref<1x128xi32, #tpu.memory_space<vmem>> -> memref<128xi32, #tpu.memory_space<vmem>>
        %dma_start3A_98 = arith.constant 0 : i32
        %dma_start3A_99 = arith.constant 0 : i32
        %dma_start3A_100 = tpu.memref_slice %arg2[%dma_start3A_98, %dma_start3A_99] : memref<10000x128xf32, #tpu.memory_space<hbm>> -> memref<10000x128xf32, #tpu.memory_space<hbm>>
        tpu.enqueue_indirect_dma source(%dma_start3A_100 : memref<10000x128xf32, #tpu.memory_space<hbm>>) target(%dma_start3A_94 : memref<128x128xf32, #tpu.memory_space<vmem>>) offsets(%dma_start3A_97 : memref<128xi32, #tpu.memory_space<vmem>>) semaphore(%arg11 : memref<!tpu.dma_semaphore, #tpu.memory_space<semaphore_mem>>)
        %mul3A_101 = arith.constant 2 : i32
        %mul3A_102 = arith.muli %scan3A_71, %mul3A_101 : i32
        %add3A_103 = arith.constant 1 : i32
        %add3A_104 = arith.addi %mul3A_102, %add3A_103 : i32
        %dma_wait3A_105 = arith.constant 1 : i32
        %dma_wait3A_106 = arith.constant 0 : i32
        %dma_wait3A_107 = arith.constant 0 : i32
        %dma_wait3A_108 = tpu.memref_slice %arg9[%dma_wait3A_105, %dma_wait3A_106, %dma_wait3A_107] : memref<2x128x128xf32, #tpu.memory_space<vmem>> -> memref<1x128x128xf32, #tpu.memory_space<vmem>>
        %dma_wait3A_109 = tpu.memref_squeeze %dma_wait3A_108 : memref<1x128x128xf32, #tpu.memory_space<vmem>> -> memref<128x128xf32, #tpu.memory_space<vmem>>
        %dma_wait3A_110 = arith.constant 0 : i32
        %dma_wait3A_111 = tpu.memref_slice %arg7[%add3A_104, %dma_wait3A_110] : memref<16x128xi32, #tpu.memory_space<vmem>> -> memref<1x128xi32, #tpu.memory_space<vmem>>
        %dma_wait3A_112 = tpu.memref_squeeze %dma_wait3A_111 : memref<1x128xi32, #tpu.memory_space<vmem>> -> memref<128xi32, #tpu.memory_space<vmem>>
        %dma_wait3A_113 = arith.constant 0 : i32
        %dma_wait3A_114 = arith.constant 0 : i32
        %dma_wait3A_115 = tpu.memref_slice %arg2[%dma_wait3A_113, %dma_wait3A_114] : memref<10000x128xf32, #tpu.memory_space<hbm>> -> memref<10000x128xf32, #tpu.memory_space<hbm>>
        tpu.wait_indirect_dma semaphore(%arg12 : memref<!tpu.dma_semaphore, #tpu.memory_space<semaphore_mem>>) src(%dma_wait3A_115 : memref<10000x128xf32, #tpu.memory_space<hbm>>) dst(%dma_wait3A_109 : memref<128x128xf32, #tpu.memory_space<vmem>>)
        %run_scoped3A_116 = arith.constant 1 : i32
        "tpu.region"() ({
          %run_scoped3A_132 = tpu.sem_alloc : memref<!tpu.dma_semaphore, #tpu.memory_space<semaphore_mem>>
          %dma_start3A_133 = arith.constant 0 : i32
          %dma_start3A_134 = arith.constant 0 : i32
          %dma_start3A_135 = tpu.memref_slice %arg9[%run_scoped3A_116, %dma_start3A_133, %dma_start3A_134] : memref<2x128x128xf32, #tpu.memory_space<vmem>> -> memref<1x128x128xf32, #tpu.memory_space<vmem>>
          %dma_start3A_136 = tpu.memref_squeeze %dma_start3A_135 : memref<1x128x128xf32, #tpu.memory_space<vmem>> -> memref<128x128xf32, #tpu.memory_space<vmem>>
          %dma_start3A_137 = arith.constant 0 : i32
          %dma_start3A_138 = tpu.memref_slice %arg8[%add3A_104, %dma_start3A_137] : memref<16x128xi32, #tpu.memory_space<vmem>> -> memref<1x128xi32, #tpu.memory_space<vmem>>
          %dma_start3A_139 = tpu.memref_squeeze %dma_start3A_138 : memref<1x128xi32, #tpu.memory_space<vmem>> -> memref<128xi32, #tpu.memory_space<vmem>>
          %dma_start3A_140 = arith.constant 0 : i32
          %dma_start3A_141 = arith.constant 0 : i32
          %dma_start3A_142 = tpu.memref_slice %arg10[%dma_start3A_140, %dma_start3A_141] : memref<10240x128xf32, #tpu.memory_space<vmem_shared>> -> memref<10240x128xf32, #tpu.memory_space<vmem_shared>>
          tpu.enqueue_indirect_dma source(%dma_start3A_136 : memref<128x128xf32, #tpu.memory_space<vmem>>) target(%dma_start3A_142 : memref<10240x128xf32, #tpu.memory_space<vmem_shared>>) offsets(%dma_start3A_139 : memref<128xi32, #tpu.memory_space<vmem>>) semaphore(%run_scoped3A_132 : memref<!tpu.dma_semaphore, #tpu.memory_space<semaphore_mem>>) {add = true}
          %dma_wait3A_143 = arith.constant 0 : i32
          %dma_wait3A_144 = arith.constant 0 : i32
          %dma_wait3A_145 = tpu.memref_slice %arg9[%run_scoped3A_116, %dma_wait3A_143, %dma_wait3A_144] : memref<2x128x128xf32, #tpu.memory_space<vmem>> -> memref<1x128x128xf32, #tpu.memory_space<vmem>>
          %dma_wait3A_146 = tpu.memref_squeeze %dma_wait3A_145 : memref<1x128x128xf32, #tpu.memory_space<vmem>> -> memref<128x128xf32, #tpu.memory_space<vmem>>
          %dma_wait3A_147 = arith.constant 0 : i32
          %dma_wait3A_148 = tpu.memref_slice %arg8[%add3A_104, %dma_wait3A_147] : memref<16x128xi32, #tpu.memory_space<vmem>> -> memref<1x128xi32, #tpu.memory_space<vmem>>
          %dma_wait3A_149 = tpu.memref_squeeze %dma_wait3A_148 : memref<1x128xi32, #tpu.memory_space<vmem>> -> memref<128xi32, #tpu.memory_space<vmem>>
          %dma_wait3A_150 = arith.constant 0 : i32
          %dma_wait3A_151 = arith.constant 0 : i32
          %dma_wait3A_152 = tpu.memref_slice %arg10[%dma_wait3A_150, %dma_wait3A_151] : memref<10240x128xf32, #tpu.memory_space<vmem_shared>> -> memref<10240x128xf32, #tpu.memory_space<vmem_shared>>
          tpu.wait_indirect_dma semaphore(%run_scoped3A_132 : memref<!tpu.dma_semaphore, #tpu.memory_space<semaphore_mem>>) src(%dma_wait3A_146 : memref<128x128xf32, #tpu.memory_space<vmem>>) dst(%dma_wait3A_152 : memref<10240x128xf32, #tpu.memory_space<vmem_shared>>)
          tpu.yield
        }) : () -> ()
        %add3A_117 = arith.constant 2 : i32
        %add3A_118 = arith.addi %add3A_104, %add3A_117 : i32
        %min3A_119 = arith.constant 15 : i32
        %min3A_120 = arith.minsi %add3A_118, %min3A_119 : i32
        %dma_start3A_121 = arith.constant 1 : i32
        %dma_start3A_122 = arith.constant 0 : i32
        %dma_start3A_123 = arith.constant 0 : i32
        %dma_start3A_124 = tpu.memref_slice %arg9[%dma_start3A_121, %dma_start3A_122, %dma_start3A_123] : memref<2x128x128xf32, #tpu.memory_space<vmem>> -> memref<1x128x128xf32, #tpu.memory_space<vmem>>
        %dma_start3A_125 = tpu.memref_squeeze %dma_start3A_124 : memref<1x128x128xf32, #tpu.memory_space<vmem>> -> memref<128x128xf32, #tpu.memory_space<vmem>>
        %dma_start3A_126 = arith.constant 0 : i32
        %dma_start3A_127 = tpu.memref_slice %arg7[%min3A_120, %dma_start3A_126] : memref<16x128xi32, #tpu.memory_space<vmem>> -> memref<1x128xi32, #tpu.memory_space<vmem>>
        %dma_start3A_128 = tpu.memref_squeeze %dma_start3A_127 : memref<1x128xi32, #tpu.memory_space<vmem>> -> memref<128xi32, #tpu.memory_space<vmem>>
        %dma_start3A_129 = arith.constant 0 : i32
        %dma_start3A_130 = arith.constant 0 : i32
        %dma_start3A_131 = tpu.memref_slice %arg2[%dma_start3A_129, %dma_start3A_130] : memref<10000x128xf32, #tpu.memory_space<hbm>> -> memref<10000x128xf32, #tpu.memory_space<hbm>>
        tpu.enqueue_indirect_dma source(%dma_start3A_131 : memref<10000x128xf32, #tpu.memory_space<hbm>>) target(%dma_start3A_125 : memref<128x128xf32, #tpu.memory_space<vmem>>) offsets(%dma_start3A_128 : memref<128xi32, #tpu.memory_space<vmem>>) semaphore(%arg12 : memref<!tpu.dma_semaphore, #tpu.memory_space<semaphore_mem>>)
      }
      %scan3A_47 = arith.constant 8 : i32
      %dma_wait3A = arith.constant 15 : i32
      %dma_wait3A_48 = arith.constant 0 : i32
      %dma_wait3A_49 = arith.constant 0 : i32
      %dma_wait3A_50 = arith.constant 0 : i32
      %dma_wait3A_51 = tpu.memref_slice %arg9[%dma_wait3A_48, %dma_wait3A_49, %dma_wait3A_50] : memref<2x128x128xf32, #tpu.memory_space<vmem>> -> memref<1x128x128xf32, #tpu.memory_space<vmem>>
      %dma_wait3A_52 = tpu.memref_squeeze %dma_wait3A_51 : memref<1x128x128xf32, #tpu.memory_space<vmem>> -> memref<128x128xf32, #tpu.memory_space<vmem>>
      %dma_wait3A_53 = arith.constant 0 : i32
      %dma_wait3A_54 = tpu.memref_slice %arg7[%dma_wait3A, %dma_wait3A_53] : memref<16x128xi32, #tpu.memory_space<vmem>> -> memref<1x128xi32, #tpu.memory_space<vmem>>
      %dma_wait3A_55 = tpu.memref_squeeze %dma_wait3A_54 : memref<1x128xi32, #tpu.memory_space<vmem>> -> memref<128xi32, #tpu.memory_space<vmem>>
      %dma_wait3A_56 = arith.constant 0 : i32
      %dma_wait3A_57 = arith.constant 0 : i32
      %dma_wait3A_58 = tpu.memref_slice %arg2[%dma_wait3A_56, %dma_wait3A_57] : memref<10000x128xf32, #tpu.memory_space<hbm>> -> memref<10000x128xf32, #tpu.memory_space<hbm>>
      tpu.wait_indirect_dma semaphore(%arg11 : memref<!tpu.dma_semaphore, #tpu.memory_space<semaphore_mem>>) src(%dma_wait3A_58 : memref<10000x128xf32, #tpu.memory_space<hbm>>) dst(%dma_wait3A_52 : memref<128x128xf32, #tpu.memory_space<vmem>>)
      %dma_wait3A_59 = arith.constant 15 : i32
      %dma_wait3A_60 = arith.constant 1 : i32
      %dma_wait3A_61 = arith.constant 0 : i32
      %dma_wait3A_62 = arith.constant 0 : i32
      %dma_wait3A_63 = tpu.memref_slice %arg9[%dma_wait3A_60, %dma_wait3A_61, %dma_wait3A_62] : memref<2x128x128xf32, #tpu.memory_space<vmem>> -> memref<1x128x128xf32, #tpu.memory_space<vmem>>
      %dma_wait3A_64 = tpu.memref_squeeze %dma_wait3A_63 : memref<1x128x128xf32, #tpu.memory_space<vmem>> -> memref<128x128xf32, #tpu.memory_space<vmem>>
      %dma_wait3A_65 = arith.constant 0 : i32
      %dma_wait3A_66 = tpu.memref_slice %arg7[%dma_wait3A_59, %dma_wait3A_65] : memref<16x128xi32, #tpu.memory_space<vmem>> -> memref<1x128xi32, #tpu.memory_space<vmem>>
      %dma_wait3A_67 = tpu.memref_squeeze %dma_wait3A_66 : memref<1x128xi32, #tpu.memory_space<vmem>> -> memref<128xi32, #tpu.memory_space<vmem>>
      %dma_wait3A_68 = arith.constant 0 : i32
      %dma_wait3A_69 = arith.constant 0 : i32
      %dma_wait3A_70 = tpu.memref_slice %arg2[%dma_wait3A_68, %dma_wait3A_69] : memref<10000x128xf32, #tpu.memory_space<hbm>> -> memref<10000x128xf32, #tpu.memory_space<hbm>>
      tpu.wait_indirect_dma semaphore(%arg12 : memref<!tpu.dma_semaphore, #tpu.memory_space<semaphore_mem>>) src(%dma_wait3A_70 : memref<10000x128xf32, #tpu.memory_space<hbm>>) dst(%dma_wait3A_64 : memref<128x128xf32, #tpu.memory_space<vmem>>)
    }
    %scan3A_7 = arith.constant 5 : i32
    %barrier3A_8 = arith.constant 0 : index
    tpu.barrier barrier_id(%barrier3A_8)
    %mul3A_9 = arith.constant 640 : i32
    %mul3A_10 = arith.muli %arg1, %mul3A_9 : i32
    %mul3A_11 = arith.constant 640 : i32
    %mul3A_12 = arith.muli %arg1, %mul3A_11 : i32
    "tpu.region"() ({
      %run_scoped3A = tpu.sem_alloc : memref<!tpu.dma_semaphore, #tpu.memory_space<semaphore_mem>>
      %dma_start3A = arith.constant 0 : i32
      %dma_start3A_13 = tpu.memref_slice %arg6[%arg0, %mul3A_12, %dma_start3A] : memref<2x10240x128xf32, #tpu.memory_space<hbm>> -> memref<1x640x128xf32, #tpu.memory_space<hbm>>
      %dma_start3A_14 = tpu.memref_squeeze %dma_start3A_13 : memref<1x640x128xf32, #tpu.memory_space<hbm>> -> memref<640x128xf32, #tpu.memory_space<hbm>>
      %dma_start3A_15 = arith.constant 0 : i32
      %dma_start3A_16 = tpu.memref_slice %arg10[%mul3A_10, %dma_start3A_15] : memref<10240x128xf32, #tpu.memory_space<vmem_shared>> -> memref<640x128xf32, #tpu.memory_space<vmem_shared>>
      tpu.enqueue_dma source(%dma_start3A_16 : memref<640x128xf32, #tpu.memory_space<vmem_shared>>) target(%dma_start3A_14 : memref<640x128xf32, #tpu.memory_space<hbm>>) target_semaphore(%run_scoped3A : memref<!tpu.dma_semaphore, #tpu.memory_space<semaphore_mem>>)
      %dma_wait3A = arith.constant 0 : i32
      %dma_wait3A_17 = tpu.memref_slice %arg6[%arg0, %mul3A_12, %dma_wait3A] : memref<2x10240x128xf32, #tpu.memory_space<hbm>> -> memref<1x640x128xf32, #tpu.memory_space<hbm>>
      %dma_wait3A_18 = tpu.memref_squeeze %dma_wait3A_17 : memref<1x640x128xf32, #tpu.memory_space<hbm>> -> memref<640x128xf32, #tpu.memory_space<hbm>>
      %dma_wait3A_19 = arith.constant 0 : i32
      %dma_wait3A_20 = tpu.memref_slice %arg10[%mul3A_10, %dma_wait3A_19] : memref<10240x128xf32, #tpu.memory_space<vmem_shared>> -> memref<640x128xf32, #tpu.memory_space<vmem_shared>>
      tpu.wait_dma2 semaphore(%run_scoped3A : memref<!tpu.dma_semaphore, #tpu.memory_space<semaphore_mem>>) src(%dma_wait3A_20 : memref<640x128xf32, #tpu.memory_space<vmem_shared>>) dst(%dma_wait3A_18 : memref<640x128xf32, #tpu.memory_space<hbm>>)
      tpu.yield
    }) : () -> ()
    return
  }
}

module attributes {stable_mosaic.version = 14 : i64} {
  func.func @_matmul_body(%arg0: i32, %arg1: memref<1000x128xf32, #tpu.memory_space<vmem>>, %arg2: memref<128x128xf32, #tpu.memory_space<vmem>>, %arg3: memref<1000x128xf32, #tpu.memory_space<vmem>>) attributes {dimension_semantics = [#tpu.dimension_semantics<arbitrary>], iteration_bounds = array<i64: 10>, scalar_prefetch = 0 : i64, scratch_operands = 0 : i64, tpu.core_type = #tpu.core_type<tc>, window_params = [{transform_indices = @transform_0, window_bounds = array<i64: 1000, 128>}, {pipeline_mode = #tpu.pipeline_mode<synchronous>, transform_indices = @transform_1, window_bounds = array<i64: 128, 128>}, {transform_indices = @transform_2, window_bounds = array<i64: 1000, 128>}]} {
    %get3A = arith.constant 0 : index
    %get3A_0 = arith.constant 0 : index
    %get3A_1 = vector.load %arg1[%get3A, %get3A_0] : memref<1000x128xf32, #tpu.memory_space<vmem>>, vector<1000x128xf32>
    %get3A_2 = arith.constant 0 : index
    %get3A_3 = arith.constant 0 : index
    %get3A_4 = vector.load %arg2[%get3A_2, %get3A_3] : memref<128x128xf32, #tpu.memory_space<vmem>>, vector<128x128xf32>
    %dot_general3A = arith.constant dense<0.000000e+00> : vector<1000x128xf32>
    %dot_general3A_5 = tpu.matmul %get3A_1, %get3A_4, %dot_general3A {dimension_numbers = #tpu.dot_dimension_numbers<[1], [0], [0], [1], [0, 0, 1, 1], [], []>, transpose_lhs_hint = false} : vector<1000x128xf32>, vector<128x128xf32>, vector<1000x128xf32> -> vector<1000x128xf32>
    %swap3A = arith.constant 0 : index
    %swap3A_6 = arith.constant 0 : index
    %swap3A_7 = vector.load %arg3[%swap3A, %swap3A_6] : memref<1000x128xf32, #tpu.memory_space<vmem>>, vector<1000x128xf32>
    tpu.vector_store %arg3[%swap3A, %swap3A_6], %dot_general3A_5 {strides = array<i32>} : memref<1000x128xf32, #tpu.memory_space<vmem>>, vector<1000x128xf32>,
    return
  }
  func.func @transform_0(%arg0: i32) -> (i32, i32) {
    %c0_i32 = arith.constant 0 : i32
    %c0_i32_0 = arith.constant 0 : i32
    return %arg0, %c0_i32 : i32, i32
  }
  func.func @transform_1(%arg0: i32) -> (i32, i32) {
    %c0_i32 = arith.constant 0 : i32
    %c0_i32_0 = arith.constant 0 : i32
    %c0_i32_1 = arith.constant 0 : i32
    return %c0_i32, %c0_i32_0 : i32, i32
  }
  func.func @transform_2(%arg0: i32) -> (i32, i32) {
    %c0_i32 = arith.constant 0 : i32
    %c0_i32_0 = arith.constant 0 : i32
    return %arg0, %c0_i32 : i32, i32
  }
}

module attributes {stable_mosaic.version = 14 : i64} {
  func.func @_combine_body(%arg0: i32, %arg1: memref<1x1000x128xf32, #tpu.memory_space<vmem>>, %arg2: memref<1x1000x128xf32, #tpu.memory_space<vmem>>, %arg3: memref<1x128xf32, #tpu.memory_space<vmem>>, %arg4: memref<1000x128xf32, #tpu.memory_space<vmem>>) attributes {dimension_semantics = [#tpu.dimension_semantics<arbitrary>], iteration_bounds = array<i64: 10>, scalar_prefetch = 0 : i64, scratch_operands = 0 : i64, tpu.core_type = #tpu.core_type<tc>, window_params = [{transform_indices = @transform_0, window_bounds = array<i64: 1, 1000, 128>}, {transform_indices = @transform_1, window_bounds = array<i64: 1, 1000, 128>}, {pipeline_mode = #tpu.pipeline_mode<synchronous>, transform_indices = @transform_2, window_bounds = array<i64: 1, 128>}, {transform_indices = @transform_3, window_bounds = array<i64: 1000, 128>}]} {
    %get3A = arith.constant 0 : index
    %get3A_0 = arith.constant 0 : index
    %get3A_1 = arith.constant 0 : index
    %get3A_2 = vector.load %arg1[%get3A, %get3A_0, %get3A_1] : memref<1x1000x128xf32, #tpu.memory_space<vmem>>, vector<1x1000x128xf32>
    %get3A_3 = vector.shape_cast %get3A_2 : vector<1x1000x128xf32> to vector<1000x128xf32>
    %get3A_4 = arith.constant 0 : index
    %get3A_5 = arith.constant 0 : index
    %get3A_6 = arith.constant 0 : index
    %get3A_7 = vector.load %arg2[%get3A_4, %get3A_5, %get3A_6] : memref<1x1000x128xf32, #tpu.memory_space<vmem>>, vector<1x1000x128xf32>
    %get3A_8 = vector.shape_cast %get3A_7 : vector<1x1000x128xf32> to vector<1000x128xf32>
    %add3A = arith.addf %get3A_3, %get3A_8 : vector<1000x128xf32>
    %get3A_9 = arith.constant 0 : index
    %get3A_10 = arith.constant 0 : index
    %get3A_11 = vector.load %arg3[%get3A_9, %get3A_10] : memref<1x128xf32, #tpu.memory_space<vmem>>, vector<1x128xf32>
    %add3A_12 = vector.broadcast %get3A_11 : vector<1x128xf32> to vector<1000x128xf32>
    %add3A_13 = arith.addf %add3A, %add3A_12 : vector<1000x128xf32>
    %swap3A = arith.constant 0 : index
    %swap3A_14 = arith.constant 0 : index
    %swap3A_15 = vector.load %arg4[%swap3A, %swap3A_14] : memref<1000x128xf32, #tpu.memory_space<vmem>>, vector<1000x128xf32>
    tpu.vector_store %arg4[%swap3A, %swap3A_14], %add3A_13 {strides = array<i32>} : memref<1000x128xf32, #tpu.memory_space<vmem>>, vector<1000x128xf32>,
    return
  }
  func.func @transform_0(%arg0: i32) -> (i32, i32, i32) {
    %c0_i32 = arith.constant 0 : i32
    %c0_i32_0 = arith.constant 0 : i32
    %c0_i32_1 = arith.constant 0 : i32
    return %c0_i32, %arg0, %c0_i32_0 : i32, i32, i32
  }
  func.func @transform_1(%arg0: i32) -> (i32, i32, i32) {
    %c1_i32 = arith.constant 1 : i32
    %c0_i32 = arith.constant 0 : i32
    %c0_i32_0 = arith.constant 0 : i32
    return %c1_i32, %arg0, %c0_i32 : i32, i32, i32
  }
  func.func @transform_2(%arg0: i32) -> (i32, i32) {
    %c0_i32 = arith.constant 0 : i32
    %c0_i32_0 = arith.constant 0 : i32
    %c0_i32_1 = arith.constant 0 : i32
    return %c0_i32, %c0_i32_0 : i32, i32
  }
  func.func @transform_3(%arg0: i32) -> (i32, i32) {
    %c0_i32 = arith.constant 0 : i32
    %c0_i32_0 = arith.constant 0 : i32
    return %arg0, %c0_i32 : i32, i32
  }
}

</mosaic_0001>

<sc_bundles>
// kernel: kernel.5.cloned.1.call-start
scs
__scs_entry_jumppad:
0x0: {  	(pc) =	sbr.rel $0x88, $3  }
0x1: {  	(tag) =	ssettag $0x0;
	lr =	simm.s32 $0x1  }
0x2: {  	[smem:$0x3F9D] =	sst lr;
	_ =	strace $0xD0000000  }
0x3: {  	_ = 	snop  }
0x4: {  	_ = 	snop  }
0x5: {  	_ = 	snop  }
0x6: {  	_ = 	snop  }
0x7: {  	_ = 	snop  }
__scs_overlays_trampoline_lowered:
0x8: {  	[smem:$0x3FAC] =	sst s0  }
0x9: {  	[smem:$0x3FAD] =	sst s1  }
0xa: {  	[smem:$0x3FAE] =	sst s2  }
0xb: {  	[smem:$0x3FAF] =	sst s3  }
0xc: {  	[smem:$0x3FB0] =	sst s4  }
0xd: {  	[smem:$0x3FB1] =	sst s5  }
0xe: {  	[smem:$0x3FB2] =	sst s6  }
0xf: {  	[smem:$0x3FB3] =	sst s7  }
0x10: {  	[smem:$0x3FB4] =	sst s8  }
0x11: {  	[smem:$0x3FB5] =	sst s9;
	s0 =	simm.s32 @!p0 $0x0  }
0x12: {  	s1 =	sld [smem:$0x3F9B];
	s0 =	simm.s32 @p0 $0x1  }
0x13: {  	[smem:$0x3FB6] =	sst s0;
	s0 =	simm.s32 @!p1 $0x0  }
0x14: {  	s2 =	sld [smem:$0x3F9A];
	s0 =	simm.s32 @p1 $0x1  }
0x15: {  	[smem:$0x3FB7] =	sst s0;
	s0 =	simm.s32 @!p2 $0x0  }
0x16: {  	s3 =	sld [smem:$0x3FDB];
	s0 =	simm.s32 @p2 $0x1  }
0x17: {  	s4 =	simm.s32 $0x1BF5;
	[smem:$0x3FB9] =	sst s0  }
0x18: {  	s0 =	sld [smem:$0x3F9C];
	_ =	swait.ge [sflag:s4], $0x0  }
0x19: {  	s7 =	sld [smem:$0x3F9D]  }
0x1a: {  	s8 =	sadd.s32 $0xFFFFE003, lr  }
0x1b: {  	s9 =	sadd.s32 $0xFFFFFEF7, lr;
	s5 =	simm.s32 $0xFFFFFFFF;
	p2 =	slt.u32 s8, $0xFFFFF086  }
0x1c: {  	p1 =	slt.u32 s9, $0xF7A;
	s5 =	simm.s32 @!p2 $0x0  }
0x1d: {  	s5 =	simm.s32 @p1 $0x1;
	p0 =	seq.s32 s7, s2  }
0x1e: {  	s7 =	smul.u32 @!p0 $0xF7A, s2;
	p2 =	seq.s32 @!p0 s5, $0x0  }
0x1f: {  	s9 =	smul.u32 $0xF7A, s1;
	s8 =	simm.s32 @!p0 $0x1BF5;
	p2 =	por !p2, p0  }
0x20: {  	[sflag:s8] =	ssyncset.s32 @!p0 $0xFFFFF086;
	s6 =	sadd.s32 @!p0 s3, s7;
	s7 =	simm.s32 @!p0 $0x108  }
0x21: {  	s3 =	sadd.s32 s3, s9;
	s6 =	sadd.s32 @!p0 $0x88, s6;
	s7 =	simm.s32 @p2 $0x1082  }
0x22: {  	[simem:s7], [sflag:s8] =	dma.local @!p0 [hbm:s6], $0xF7A  }
0x23: {  	s9 =	sor.u32 $0xD0000000, s2;
	s6 =	simm.s32 $0x108;
	_ =	swait.ge @!p0 [sflag:s8], $0x0  }
0x24: {  	s3 =	sadd.s32 $0x88, s3;
	s6 =	simm.s32 @!p1 $0x1082;
	[sflag:s4] =	ssyncset.s32 $0xFFFFF086  }
0x25: {  	[simem:s6], [sflag:s4] =	dma.local [hbm:s3], $0xF7A  }
0x26: {  	[smem:$0x3F9D] =	sst s1;
	(tag) =	ssettag s2;
	_ =	strace s9  }
0x27: {  	s1 =	sld [smem:$0x3FAD]  }
0x28: {  	s2 =	sld [smem:$0x3FAE]  }
0x29: {  	s4 =	sld [smem:$0x3FB0]  }
0x2a: {  	p0 =	seq.s32 s5, $0x0;
	s5 =	sld [smem:$0x3FB1]  }
0x2b: {  	s6 =	sld [smem:$0x3FB2]  }
0x2c: {  	s7 =	sld [smem:$0x3FB3]  }
0x2d: {  	s3 =	simm.s32 $0x108;
	s8 =	sld [smem:$0x3FB4]  }
0x2e: {  	s3 =	simm.s32 @!p0 $0x1082;
	s9 =	sld [smem:$0x3FB5]  }
0x2f: {  	lr =	sadd.s32 s0, s3;
	s0 =	sld [smem:$0x3FAC]  }
0x30: {  	s3 =	sld [smem:$0x3FAF]  }
0x31: {  	[smem:$0x3FB8] =	sst s10  }
0x32: {  	s10 =	sld [smem:$0x3FB6];
	_ =	sdelay $0x3  }
0x33: {  	p0 =	seq.s32 s10, $0x1;
	s10 =	sld [smem:$0x3FB8];
	_ =	sdelay $0x3  }
0x34: {  	[smem:$0x3FB8] =	sst s10  }
0x35: {  	s10 =	sld [smem:$0x3FB7];
	_ =	sdelay $0x3  }
0x36: {  	p1 =	seq.s32 s10, $0x1;
	s10 =	sld [smem:$0x3FB8];
	_ =	sdelay $0x3  }
0x37: {  	[smem:$0x3FB8] =	sst s10  }
0x38: {  	s10 =	sld [smem:$0x3FB9]  }
0x39: {  	_ = 	snop;
	(pc) =	sbr.ind lr, $3  }
0x3a: {  	_ = 	snop  }
0x3b: {  	_ = 	snop  }
0x3c: {  	p2 =	seq.s32 s10, $0x1;
	s10 =	sld [smem:$0x3FB8]  }
0x3d: {  	_ =	shalt  }
0x3e: {  	_ =	shalt  }
0x3f: {  	_ =	shalt  }
0x40: {  	_ =	shalt  }
0x41: {  	_ =	shalt  }
0x42: {  	_ =	shalt  }
0x43: {  	_ =	shalt  }
0x44: {  	_ =	shalt  }
0x45: {  	_ =	shalt  }
0x46: {  	_ =	shalt  }
0x47: {  	_ =	shalt  }
0x48: {  	_ =	shalt  }
0x49: {  	_ =	shalt  }
0x4a: {  	_ =	shalt  }
0x4b: {  	_ =	shalt  }
0x4c: {  	_ =	shalt  }
0x4d: {  	_ =	shalt  }
0x4e: {  	_ =	shalt  }
0x4f: {  	_ =	shalt  }
0x50: {  	_ =	shalt  }
0x51: {  	_ =	shalt  }
0x52: {  	_ =	shalt  }
0x53: {  	_ =	shalt  }
0x54: {  	_ =	shalt  }
0x55: {  	_ =	shalt  }
0x56: {  	_ =	shalt  }
0x57: {  	_ =	shalt  }
0x58: {  	_ =	shalt  }
0x59: {  	_ =	shalt  }
0x5a: {  	_ =	shalt  }
0x5b: {  	_ =	shalt  }
0x5c: {  	_ =	shalt  }
0x5d: {  	_ =	shalt  }
0x5e: {  	_ =	shalt  }
0x5f: {  	_ =	shalt  }
0x60: {  	_ =	shalt  }
0x61: {  	_ =	shalt  }
0x62: {  	_ =	shalt  }
0x63: {  	_ =	shalt  }
0x64: {  	_ =	shalt  }
0x65: {  	_ =	shalt  }
0x66: {  	_ =	shalt  }
0x67: {  	_ =	shalt  }
0x68: {  	_ =	shalt  }
0x69: {  	_ =	shalt  }
0x6a: {  	_ =	shalt  }
0x6b: {  	_ =	shalt  }
0x6c: {  	_ =	shalt  }
0x6d: {  	_ =	shalt  }
0x6e: {  	_ =	shalt  }
0x6f: {  	_ =	shalt  }
0x70: {  	_ =	shalt  }
0x71: {  	_ =	shalt  }
0x72: {  	_ =	shalt  }
0x73: {  	_ =	shalt  }
0x74: {  	_ =	shalt  }
0x75: {  	_ =	shalt  }
0x76: {  	_ =	shalt  }
0x77: {  	_ =	shalt  }
0x78: {  	_ =	shalt  }
0x79: {  	_ =	shalt  }
0x7a: {  	_ =	shalt  }
0x7b: {  	_ =	shalt  }
0x7c: {  	_ =	shalt  }
0x7d: {  	_ =	shalt  }
0x7e: {  	_ =	shalt  }
0x7f: {  	_ =	shalt  }
0x80: {  	_ =	shalt  }
0x81: {  	_ =	shalt  }
0x82: {  	_ =	shalt  }
0x83: {  	_ =	shalt  }
0x84: {  	_ =	shalt  }
0x85: {  	_ =	shalt  }
0x86: {  	_ =	shalt  }
0x87: {  	_ =	shalt  }
.Lfunc_end0:
.L_simem_size_0:
called_computation_lowered:
.L_overlay_start_0:
0x88: {  	s2 =	sld [smem:$0x3FD9]  }
0x89: {  	s3 =	sld [smem:$0x3FFE];
	_ =	sdelay $0x1  }
0x8a: {  	s1 =	srdreg.scid  }
0x8b: {  	s0 =	sand.u32 $0x1, s1  }
0x8c: {  	s17 =	sshll.u32 s0, $0xA;
	s2 =	sadd.s32 s3, s2  }
0x8d: {  	s2 =	sadd.s32 s2, s17  }
0x8e: {  	[smem:$0x3FC4] =	sst s2  }
0x8f: {  	_ = 	snop  }
0x90: {  	s2 =	sld [smem:$0x3FD0];
	(tm) =	ssettm $0x1  }
0x91: {  	s18 =	sld [smem:$0x3FFB];
	_ =	sdelay $0x3  }
0x92: {  	_ =	strace s18  }
0x93: {  	s3 =	sld [smem:$0x3FFC];
	_ =	sdelay $0x3  }
0x94: {  	_ =	strace s3  }
0x95: {  	s3 =	sld [smem:$0x3FFD];
	_ =	sdelay $0x3  }
0x96: {  	_ =	strace s3  }
0x97: {  	_ =	strace $0x8FFFFFFF  }
0x98: {  	s19 =	sld [smem:$0x3FDB];
	_ =	sdelay $0x1  }
0x99: {  	s4 =	simm.s32 $_scs_section_size  }
0x9a: {  	s5 =	simm.s32 $_size__tile_overlayer_lowered;
	s6 =	simm.s32 $_tile_overlayer_lowered  }
0x9b: {  	s22 =	simm.s32 $0x1BFF;
	s21 =	sshll.u32 s6, $0x1;
	s3 =	sadd.s32 s4, s19  }
0x9c: {  	s7 =	simm.s32 $0x0;
	s20 =	sshll.u32 s5, $0x1;
	s5 =	sadd.s32 s21, s3  }
0x9d: {  	[timem:s7], [sflag:s22] =	dma.local [hbm:s5], s20  }
0x9e: {  	_ =	swait.ge [sflag:s22], s20  }
0x9f: {  	s4 =	ssub.s32 $0x0, s20;
	[sflag:s22] =	ssyncset.done $0x0  }
0xa0: {  	[sflag:s22] =	ssyncadd.s32 s4;
	_ =	sdelay $0x1  }
0xa1: {  	s23 =	simm.s32 $0x1B8B  }
0xa2: {  	_ =	swait.ge [sflag:s23], $0x1  }
0xa3: {  	[sflag:s23] =	ssyncset.done $0x0  }
0xa4: {  	s25 =	simm.s32 $0x1B8E;
	s24 =	sld [smem:$0x3FFE];
	[sflag:s23] =	ssyncadd.s32 $0xFFFFFFFF  }
0xa5: {  	s26 =	simm.s32 $execute0_lowered;
	[smem:$0x3FD2] =	sst s25  }
0xa6: {  	s5 =	sshll.u32 s26, $0x1;
	_ =	strace $0x80000046;
	[dreg:$0x1] =	wrdreg $0xFFFFFFFF  }
0xa7: {  	s28 =	simm.s32 $_size_execute0_lowered;
	s3 =	sadd.s32 s3, s5;
	[dreg:$0x0] =	wrdreg $0x0  }
0xa8: {  	s5 =	sshll.u32 s28, $0x1;
	[dreg:$0x2] =	wrdreg s3  }
0xa9: {  	[dreg:$0x3] =	wrdreg s5  }
0xaa: {  	[dreg:$0x4] =	wrdreg $0xC0  }
0xab: {  	_ =	task [dreg:s7], $0x5FFFF  }
0xac: {  	[dreg:$0x1] =	wrdreg $0xFFFFFFFF  }
0xad: {  	[dreg:$0x0] =	wrdreg $0x60  }
0xae: {  	[dreg:$0x2] =	wrdreg s2  }
0xaf: {  	[dreg:$0x3] =	wrdreg s24  }
0xb0: {  	[dreg:$0x4] =	wrdreg $0x90000  }
0xb1: {  	[dreg:$0x5] =	wrdreg $0x9  }
0xb2: {  	_ =	task.clear_ibuf [dreg:s7], $0x6FFFF;
	_ =	strace $0x90000046  }
0xb3: {  	s29 =	simm.s32 $0x9;
	_ =	strace $0x80000048  }
0xb4: {  	_ =	swait.ge [sflag:s29], $0x1  }
0xb5: {  	[sflag:s29] =	ssyncadd.s32 $0xFFFFFFFF  }
0xb6: {  	_ =	strace $0x90000048  }
0xb7: {  	_ =	sfence  }
0xb8: {  	s30 =	sld [smem:$0x0];
	_ =	sdelay $0x2  }
0xb9: {  	s31 =	sshll.u32 s1, $0xD;
	s1 =	sshrl.u32 s1, $0x2  }
0xba: {  	s3 =	sand.u32 $0x4000, s31;
	s1 =	sadd.s32 s1, s30  }
0xbb: {  	s0 =	sor.u32 s3, s0;
	s1 =	sshll.u32 s1, $0x11  }
0xbc: {  	s0 =	sor.u32 s1, s0  }
0xbd: {  	s0 =	sadd.s32 $0x8F2B, s0  }
0xbe: {  	[sflag:s0] =	ssyncadd.remote.s32 $0x1  }
0xbf: {  	_ =	sfence.sel $0xFFFF  }
0xc0: {  	[dreg:$0x0] =	wrdreg $0xFFFFFFFF;
	(pc) =	sbr.abs _section_cstart, $3  }
0xc1: {  	[dreg:$0x1] =	wrdreg $0xFFFFFFFF  }
0xc2: {  	_ =	task.clear_ibuf [dreg:s7], $0x2FFFF;
	_ =	strace $0x9FFFFFFF  }
0xc3: {  	(tm) =	ssettm $0x7FFFFFFF  }
tec
execute0_lowered:
.L_overlay_start_1:
0x0: {  	(tag) =	ssettag $0x1  }
0x1: {  	s2 =	rddreg [dreg:$0x0]  }
0x2: {  	s0 =	srdreg.scid;
	s6 =	rddreg [dreg:$0x1]  }
0x3: {  	s9 =	stileid.u32;
	s3 =	rddreg [dreg:$0x2]  }
0x4: {  	s4 =	simm.s32 $0x0;
	s14 =	simm.s32 $0x100;
	s15 =	simm.s32 $0x880  }
0x5: {  	s17 =	simm.s32 $0x180;
	s18 =	simm.s32 $0x900;
	[smem:$0x7FF] =	sst s4  }
0x6: {  	s19 =	simm.s32 $0x200;
	_ =	strace $0x80000047;
	[dreg:$0x6] =	wrdreg s14  }
0x7: {  	s20 =	simm.s32 $0x980;
	s21 =	simm.s32 $0x280;
	[dreg:$0x7] =	wrdreg s15  }
0x8: {  	s22 =	simm.s32 $0xA00;
	s23 =	simm.s32 $0x300;
	[dreg:$0x8] =	wrdreg s17  }
0x9: {  	s24 =	simm.s32 $0xA80;
	s25 =	simm.s32 $0x380;
	[dreg:$0x9] =	wrdreg s18  }
0xa: {  	s26 =	simm.s32 $0xB00;
	s28 =	simm.s32 $0x680;
	[dreg:$0xa] =	wrdreg s19  }
0xb: {  	s29 =	simm.s32 $0xE00;
	s30 =	simm.s32 $0x700;
	[dreg:$0xb] =	wrdreg s20  }
0xc: {  	s31 =	simm.s32 $0xE80;
	s1 =	smul.u32 $0x5000, s9;
	[dreg:$0xc] =	wrdreg s21  }
0xd: {  	s0 =	sand.u32 $0x1, s0;
	s8 =	smul.u32 $0x14000, s9;
	[dreg:$0xd] =	wrdreg s22  }
0xe: {  	s11 =	smul.u32 $0x50000, s9;
	s16 =	sshll.u32 s9, $0x6;
	[dreg:$0xe] =	wrdreg s23  }
0xf: {  	s9 =	simm.s32 $0x0;
	s5 =	smul.u32 $0x2800, s0;
	[dreg:$0xf] =	wrdreg s24  }
0x10: {  	s7 =	smul.u32 $0x140000, s0;
	s0 =	ssub.s32 $0x2, s0;
	[dreg:$0x10] =	wrdreg s25  }
0x11: {  	s14 =	simm.s32 $0x5000;
	s15 =	simm.s32 $0x1;
	[dreg:$0x11] =	wrdreg s26  }
0x12: {  	s17 =	simm.s32 $0x400;
	s18 =	simm.s32 $0xB80;
	s19 =	simm.s32 $0x480  }
0x13: {  	s20 =	simm.s32 $0xC00;
	s21 =	simm.s32 $0x500;
	s22 =	simm.s32 $0xC80  }
0x14: {  	s23 =	simm.s32 $0x580;
	s24 =	simm.s32 $0xD00;
	s25 =	simm.s32 $0x600  }
0x15: {  	s26 =	simm.s32 $0xD80;
	s10 =	sshrl.u32 s0, $0x1;
	s13 =	sshrl.u32 s11, $0x2  }
0x16: {  	s11 =	simm.s32 $0x800;
	s1 =	sadd.s32 s5, s1;
	s7 =	sadd.s32 s8, s7  }
0x17: {  	s8 =	sadd.s32 $0x14800, s6;
	s0 =	ssub.s32 s0, s10;
	s10 =	simm.s32 $0x3  }
0x18: {  	s1 =	sshrl.u32 s1, $0x3;
	s5 =	sshrl.u32 s7, $0x3;
	[dreg:$0x12] =	wrdreg s8  }
0x19: {  	s7 =	sor.u32 $0x1C03, s16;
	s0 =	smax.u32 s0, $0x1;
	s16 =	simm.s32 $0x2  }
0x1a: {  	s1 =	sadd.s32 s1, s6;
	s5 =	sadd.s32 s5, s6;
	[dreg:$0x15] =	wrdreg s0  }
0x1b: {  	s6 =	sadd.s32 s13, s3;
	[dreg:$0x13] =	wrdreg s7;
	s12 =	sadd.s32 $0x800, s1  }
0x1c: {  	s13 =	simm.s32 $0x1000;
	s1 =	sadd.s32 $0xA800, s1;
	[dreg:$0x4] =	wrdreg s12  }
0x1d: {  	s0 =	simm.s32 $0xF00;
	s5 =	sadd.s32 $0x17000, s5;
	[dreg:$0x5] =	wrdreg s1  }
0x1e: {  	s8 =	sshrl.u32 s6, $0x3;
	[dreg:$0x14] =	wrdreg s5;
	s12 =	simm.s32 $0x80  }
0x1f: {  	s1 =	simm.s32 $0x780;
	s5 =	simm.s32 $0xF80;
	[dreg:$0x16] =	wrdreg s8  }
.LBB2_1:
0x20: {  	[dreg:$0x17] =	wrdreg s9  }
0x21: {  	s6 =	rddreg [dreg:$0x12]  }
0x22: {  	[spmem:s8], [sflag:s7] =	dma.local [hbm:s6], $0x2800  }
0x23: {  	_ =	swait.ge [sflag:s10], $0x2800  }
0x24: {  	[sflag:s10] =	ssyncset.done $0x0  }
0x25: {  	[sflag:s10] =	ssyncadd.s32 $0xFFFFD800  }
0x26: {  	[bflag:$0x0] =	sbarrier.arrive $0xFFFF  }
0x27: {  	s8 =	rddreg [dreg:$0x5]  }
0x28: {  	s6 =	sadd.s32 $0x0, s8  }
0x29: {  	[tilespmem:s4], [sflag:$0x3] =	stream.linear.gather [hbm4b:s6+s4], $0x800, $0x38;
	[tilespmem:$0x1D000] =	vst v63  }
0x2a: {  	_ =	swait.ge [sflag:s10], $0x800  }
0x2b: {  	s9 =	rddreg [dreg:$0x4];
	[sflag:s10] =	ssyncset.done $0x0  }
0x2c: {  	[sflag:s10] =	ssyncadd.s32 $0xFFFFF800;
	s6 =	sadd.s32 $0x0, s9  }
0x2d: {  	[tilespmem:s11], [sflag:$0x3] =	stream.linear.gather [hbm4b:s6+s4], $0x800, $0x38;
	[tilespmem:$0x1D000] =	vst v63  }
0x2e: {  	_ =	swait.ge [sflag:s10], $0x800  }
0x2f: {  	[sflag:s10] =	ssyncset.done $0x0  }
0x30: {  	[sflag:s10] =	ssyncadd.s32 $0xFFFFF800  }
0x31: {  	[tilespmem:s13], [sflag:$0x1] =	stream.indirect.gather [hbm4b:s2+s12], $0x80, s4, s12, $0xb8;
	[tilespmem:$0x1D000] =	vst v63  }
0x32: {  	_ = 	snop  }
0x33: {  	[tilespmem:s14], [sflag:$0x2] =	stream.indirect.gather [hbm4b:s2+s12], $0x80, s12, s12, $0xb8;
	[tilespmem:$0x1D000] =	vst v63  }
0x34: {  	_ =	swait.ge [sflag:s15], $0x4000  }
0x35: {  	[sflag:s15] =	ssyncset.done $0x0  }
0x36: {  	[sflag:s15] =	ssyncadd.s32 $0xFFFFC000  }
0x37: {  	[spmem:s3] =	stream.indirect.scatter.add.f32 [tilespmem:s13], [sflag:$0x3], $0x80, s11, s12, $0xb8;
	[tilespmem:$0x1D000] =	vst v63  }
0x38: {  	_ =	swait.ge [sflag:s10], $0x4000  }
0x39: {  	[sflag:s10] =	ssyncset.done $0x0  }
0x3a: {  	s7 =	rddreg [dreg:$0x6];
	[sflag:s10] =	ssyncadd.s32 $0xFFFFC000  }
0x3b: {  	[tilespmem:s13], [sflag:$0x1] =	stream.indirect.gather [hbm4b:s2+s12], $0x80, s7, s12, $0xb8;
	[tilespmem:$0x1D000] =	vst v63  }
0x3c: {  	_ =	swait.ge [sflag:s16], $0x4000  }
0x3d: {  	[sflag:s16] =	ssyncset.done $0x0  }
0x3e: {  	s8 =	rddreg [dreg:$0x7];
	[sflag:s16] =	ssyncadd.s32 $0xFFFFC000  }
0x3f: {  	[spmem:s3] =	stream.indirect.scatter.add.f32 [tilespmem:s14], [sflag:$0x3], $0x80, s8, s12, $0xb8;
	[tilespmem:$0x1D000] =	vst v63  }
0x40: {  	_ =	swait.ge [sflag:s10], $0x4000  }
0x41: {  	[sflag:s10] =	ssyncset.done $0x0  }
0x42: {  	s9 =	rddreg [dreg:$0x8];
	[sflag:s10] =	ssyncadd.s32 $0xFFFFC000  }
0x43: {  	[tilespmem:s14], [sflag:$0x2] =	stream.indirect.gather [hbm4b:s2+s12], $0x80, s9, s12, $0xb8;
	[tilespmem:$0x1D000] =	vst v63  }
0x44: {  	_ =	swait.ge [sflag:s15], $0x4000  }
0x45: {  	[sflag:s15] =	ssyncset.done $0x0  }
0x46: {  	s7 =	rddreg [dreg:$0x9];
	[sflag:s15] =	ssyncadd.s32 $0xFFFFC000  }
0x47: {  	[spmem:s3] =	stream.indirect.scatter.add.f32 [tilespmem:s13], [sflag:$0x3], $0x80, s7, s12, $0xb8;
	[tilespmem:$0x1D000] =	vst v63  }
0x48: {  	_ =	swait.ge [sflag:s10], $0x4000  }
0x49: {  	[sflag:s10] =	ssyncset.done $0x0  }
0x4a: {  	s8 =	rddreg [dreg:$0xa];
	[sflag:s10] =	ssyncadd.s32 $0xFFFFC000  }
0x4b: {  	[tilespmem:s13], [sflag:$0x1] =	stream.indirect.gather [hbm4b:s2+s12], $0x80, s8, s12, $0xb8;
	[tilespmem:$0x1D000] =	vst v63  }
0x4c: {  	_ =	swait.ge [sflag:s16], $0x4000  }
0x4d: {  	[sflag:s16] =	ssyncset.done $0x0  }
0x4e: {  	s9 =	rddreg [dreg:$0xb];
	[sflag:s16] =	ssyncadd.s32 $0xFFFFC000  }
0x4f: {  	[spmem:s3] =	stream.indirect.scatter.add.f32 [tilespmem:s14], [sflag:$0x3], $0x80, s9, s12, $0xb8;
	[tilespmem:$0x1D000] =	vst v63  }
0x50: {  	_ =	swait.ge [sflag:s10], $0x4000  }
0x51: {  	[sflag:s10] =	ssyncset.done $0x0  }
0x52: {  	s7 =	rddreg [dreg:$0xc];
	[sflag:s10] =	ssyncadd.s32 $0xFFFFC000  }
0x53: {  	[tilespmem:s14], [sflag:$0x2] =	stream.indirect.gather [hbm4b:s2+s12], $0x80, s7, s12, $0xb8;
	[tilespmem:$0x1D000] =	vst v63  }
0x54: {  	_ =	swait.ge [sflag:s15], $0x4000  }
0x55: {  	[sflag:s15] =	ssyncset.done $0x0  }
0x56: {  	s8 =	rddreg [dreg:$0xd];
	[sflag:s15] =	ssyncadd.s32 $0xFFFFC000  }
0x57: {  	[spmem:s3] =	stream.indirect.scatter.add.f32 [tilespmem:s13], [sflag:$0x3], $0x80, s8, s12, $0xb8;
	[tilespmem:$0x1D000] =	vst v63  }
0x58: {  	_ =	swait.ge [sflag:s10], $0x4000  }
0x59: {  	[sflag:s10] =	ssyncset.done $0x0  }
0x5a: {  	s9 =	rddreg [dreg:$0xe];
	[sflag:s10] =	ssyncadd.s32 $0xFFFFC000  }
0x5b: {  	[tilespmem:s13], [sflag:$0x1] =	stream.indirect.gather [hbm4b:s2+s12], $0x80, s9, s12, $0xb8;
	[tilespmem:$0x1D000] =	vst v63  }
0x5c: {  	_ =	swait.ge [sflag:s16], $0x4000  }
0x5d: {  	[sflag:s16] =	ssyncset.done $0x0  }
0x5e: {  	s7 =	rddreg [dreg:$0xf];
	[sflag:s16] =	ssyncadd.s32 $0xFFFFC000  }
0x5f: {  	[spmem:s3] =	stream.indirect.scatter.add.f32 [tilespmem:s14], [sflag:$0x3], $0x80, s7, s12, $0xb8;
	[tilespmem:$0x1D000] =	vst v63  }
0x60: {  	_ =	swait.ge [sflag:s10], $0x4000  }
0x61: {  	[sflag:s10] =	ssyncset.done $0x0  }
0x62: {  	s8 =	rddreg [dreg:$0x10];
	[sflag:s10] =	ssyncadd.s32 $0xFFFFC000  }
0x63: {  	[tilespmem:s14], [sflag:$0x2] =	stream.indirect.gather [hbm4b:s2+s12], $0x80, s8, s12, $0xb8;
	[tilespmem:$0x1D000] =	vst v63  }
0x64: {  	_ =	swait.ge [sflag:s15], $0x4000  }
0x65: {  	[sflag:s15] =	ssyncset.done $0x0  }
0x66: {  	s9 =	rddreg [dreg:$0x11];
	[sflag:s15] =	ssyncadd.s32 $0xFFFFC000  }
0x67: {  	[spmem:s3] =	stream.indirect.scatter.add.f32 [tilespmem:s13], [sflag:$0x3], $0x80, s9, s12, $0xb8;
	[tilespmem:$0x1D000] =	vst v63  }
0x68: {  	_ =	swait.ge [sflag:s10], $0x4000  }
0x69: {  	[sflag:s10] =	ssyncset.done $0x0  }
0x6a: {  	[sflag:s10] =	ssyncadd.s32 $0xFFFFC000  }
0x6b: {  	[tilespmem:s13], [sflag:$0x1] =	stream.indirect.gather [hbm4b:s2+s12], $0x80, s17, s12, $0xb8;
	[tilespmem:$0x1D000] =	vst v63  }
0x6c: {  	_ =	swait.ge [sflag:s16], $0x4000  }
0x6d: {  	[sflag:s16] =	ssyncset.done $0x0  }
0x6e: {  	[sflag:s16] =	ssyncadd.s32 $0xFFFFC000  }
0x6f: {  	[spmem:s3] =	stream.indirect.scatter.add.f32 [tilespmem:s14], [sflag:$0x3], $0x80, s18, s12, $0xb8;
	[tilespmem:$0x1D000] =	vst v63  }
0x70: {  	_ =	swait.ge [sflag:s10], $0x4000  }
0x71: {  	[sflag:s10] =	ssyncset.done $0x0  }
0x72: {  	[sflag:s10] =	ssyncadd.s32 $0xFFFFC000  }
0x73: {  	[tilespmem:s14], [sflag:$0x2] =	stream.indirect.gather [hbm4b:s2+s12], $0x80, s19, s12, $0xb8;
	[tilespmem:$0x1D000] =	vst v63  }
0x74: {  	_ =	swait.ge [sflag:s15], $0x4000  }
0x75: {  	[sflag:s15] =	ssyncset.done $0x0  }
0x76: {  	[sflag:s15] =	ssyncadd.s32 $0xFFFFC000  }
0x77: {  	[spmem:s3] =	stream.indirect.scatter.add.f32 [tilespmem:s13], [sflag:$0x3], $0x80, s20, s12, $0xb8;
	[tilespmem:$0x1D000] =	vst v63  }
0x78: {  	_ =	swait.ge [sflag:s10], $0x4000  }
0x79: {  	[sflag:s10] =	ssyncset.done $0x0  }
0x7a: {  	[sflag:s10] =	ssyncadd.s32 $0xFFFFC000  }
0x7b: {  	[tilespmem:s13], [sflag:$0x1] =	stream.indirect.gather [hbm4b:s2+s12], $0x80, s21, s12, $0xb8;
	[tilespmem:$0x1D000] =	vst v63  }
0x7c: {  	_ =	swait.ge [sflag:s16], $0x4000  }
0x7d: {  	[sflag:s16] =	ssyncset.done $0x0  }
0x7e: {  	[sflag:s16] =	ssyncadd.s32 $0xFFFFC000  }
0x7f: {  	[spmem:s3] =	stream.indirect.scatter.add.f32 [tilespmem:s14], [sflag:$0x3], $0x80, s22, s12, $0xb8;
	[tilespmem:$0x1D000] =	vst v63  }
0x80: {  	_ =	swait.ge [sflag:s10], $0x4000  }
0x81: {  	[sflag:s10] =	ssyncset.done $0x0  }
0x82: {  	[sflag:s10] =	ssyncadd.s32 $0xFFFFC000  }
0x83: {  	[tilespmem:s14], [sflag:$0x2] =	stream.indirect.gather [hbm4b:s2+s12], $0x80, s23, s12, $0xb8;
	[tilespmem:$0x1D000] =	vst v63  }
0x84: {  	_ =	swait.ge [sflag:s15], $0x4000  }
0x85: {  	[sflag:s15] =	ssyncset.done $0x0  }
0x86: {  	[sflag:s15] =	ssyncadd.s32 $0xFFFFC000  }
0x87: {  	[spmem:s3] =	stream.indirect.scatter.add.f32 [tilespmem:s13], [sflag:$0x3], $0x80, s24, s12, $0xb8;
	[tilespmem:$0x1D000] =	vst v63  }
0x88: {  	_ =	swait.ge [sflag:s10], $0x4000  }
0x89: {  	[sflag:s10] =	ssyncset.done $0x0  }
0x8a: {  	[sflag:s10] =	ssyncadd.s32 $0xFFFFC000  }
0x8b: {  	[tilespmem:s13], [sflag:$0x1] =	stream.indirect.gather [hbm4b:s2+s12], $0x80, s25, s12, $0xb8;
	[tilespmem:$0x1D000] =	vst v63  }
0x8c: {  	_ =	swait.ge [sflag:s16], $0x4000  }
0x8d: {  	[sflag:s16] =	ssyncset.done $0x0  }
0x8e: {  	[sflag:s16] =	ssyncadd.s32 $0xFFFFC000  }
0x8f: {  	[spmem:s3] =	stream.indirect.scatter.add.f32 [tilespmem:s14], [sflag:$0x3], $0x80, s26, s12, $0xb8;
	[tilespmem:$0x1D000] =	vst v63  }
0x90: {  	_ =	swait.ge [sflag:s10], $0x4000  }
0x91: {  	[sflag:s10] =	ssyncset.done $0x0  }
0x92: {  	[sflag:s10] =	ssyncadd.s32 $0xFFFFC000  }
0x93: {  	[tilespmem:s14], [sflag:$0x2] =	stream.indirect.gather [hbm4b:s2+s12], $0x80, s28, s12, $0xb8;
	[tilespmem:$0x1D000] =	vst v63  }
0x94: {  	_ =	swait.ge [sflag:s15], $0x4000  }
0x95: {  	[sflag:s15] =	ssyncset.done $0x0  }
0x96: {  	[sflag:s15] =	ssyncadd.s32 $0xFFFFC000  }
0x97: {  	[spmem:s3] =	stream.indirect.scatter.add.f32 [tilespmem:s13], [sflag:$0x3], $0x80, s29, s12, $0xb8;
	[tilespmem:$0x1D000] =	vst v63  }
0x98: {  	_ =	swait.ge [sflag:s10], $0x4000  }
0x99: {  	[sflag:s10] =	ssyncset.done $0x0  }
0x9a: {  	[sflag:s10] =	ssyncadd.s32 $0xFFFFC000  }
0x9b: {  	[tilespmem:s13], [sflag:$0x1] =	stream.indirect.gather [hbm4b:s2+s12], $0x80, s30, s12, $0xb8;
	[tilespmem:$0x1D000] =	vst v63  }
0x9c: {  	_ =	swait.ge [sflag:s16], $0x4000  }
0x9d: {  	[sflag:s16] =	ssyncset.done $0x0  }
0x9e: {  	[sflag:s16] =	ssyncadd.s32 $0xFFFFC000  }
0x9f: {  	[spmem:s3] =	stream.indirect.scatter.add.f32 [tilespmem:s14], [sflag:$0x3], $0x80, s31, s12, $0xb8;
	[tilespmem:$0x1D000] =	vst v63  }
0xa0: {  	_ =	swait.ge [sflag:s10], $0x4000  }
0xa1: {  	[sflag:s10] =	ssyncset.done $0x0  }
0xa2: {  	[sflag:s10] =	ssyncadd.s32 $0xFFFFC000  }
0xa3: {  	[tilespmem:s14], [sflag:$0x2] =	stream.indirect.gather [hbm4b:s2+s12], $0x80, s1, s12, $0xb8;
	[tilespmem:$0x1D000] =	vst v63  }
0xa4: {  	_ =	swait.ge [sflag:s15], $0x4000  }
0xa5: {  	[sflag:s15] =	ssyncset.done $0x0  }
0xa6: {  	[sflag:s15] =	ssyncadd.s32 $0xFFFFC000  }
0xa7: {  	[spmem:s3] =	stream.indirect.scatter.add.f32 [tilespmem:s13], [sflag:$0x3], $0x80, s0, s12, $0xb8;
	[tilespmem:$0x1D000] =	vst v63  }
0xa8: {  	_ =	swait.ge [sflag:s10], $0x4000  }
0xa9: {  	[sflag:s10] =	ssyncset.done $0x0  }
0xaa: {  	[sflag:s10] =	ssyncadd.s32 $0xFFFFC000  }
0xab: {  	[tilespmem:s13], [sflag:$0x1] =	stream.indirect.gather [hbm4b:s2+s12], $0x80, s1, s12, $0xb8;
	[tilespmem:$0x1D000] =	vst v63  }
0xac: {  	_ =	swait.ge [sflag:s16], $0x4000  }
0xad: {  	[sflag:s16] =	ssyncset.done $0x0  }
0xae: {  	[sflag:s16] =	ssyncadd.s32 $0xFFFFC000  }
0xaf: {  	[spmem:s3] =	stream.indirect.scatter.add.f32 [tilespmem:s14], [sflag:$0x3], $0x80, s5, s12, $0xb8;
	[tilespmem:$0x1D000] =	vst v63  }
0xb0: {  	_ =	swait.ge [sflag:s10], $0x4000  }
0xb1: {  	[sflag:s10] =	ssyncset.done $0x0  }
0xb2: {  	[sflag:s10] =	ssyncadd.s32 $0xFFFFC000  }
0xb3: {  	[tilespmem:s14], [sflag:$0x2] =	stream.indirect.gather [hbm4b:s2+s12], $0x80, s1, s12, $0xb8;
	[tilespmem:$0x1D000] =	vst v63  }
0xb4: {  	_ =	swait.ge [sflag:s15], $0x4000  }
0xb5: {  	[sflag:s15] =	ssyncset.done $0x0  }
0xb6: {  	[sflag:s15] =	ssyncadd.s32 $0xFFFFC000  }
0xb7: {  	s6 =	simm.s32 $0x200;
	_ =	swait.ge [sflag:s16], $0x4000  }
0xb8: {  	s8 =	simm.s32 $0x100;
	s9 =	rddreg [dreg:$0x5];
	[sflag:s16] =	ssyncset.done $0x0  }
.LBB2_2:
0xb9: {  	[sflag:s16] =	ssyncadd.s32 $0xFFFFC000;
	s9 =	sadd.s32 s8, s9  }
0xba: {  	[tilespmem:s4], [sflag:$0x3] =	stream.linear.gather [hbm4b:s9+s4], $0x800, $0x38;
	[tilespmem:$0x1D000] =	vst v63  }
0xbb: {  	_ =	swait.ge [sflag:s10], $0x800  }
0xbc: {  	s9 =	rddreg [dreg:$0x4];
	[sflag:s10] =	ssyncset.done $0x0  }
0xbd: {  	[sflag:s10] =	ssyncadd.s32 $0xFFFFF800;
	s9 =	sadd.s32 s8, s9  }
0xbe: {  	[tilespmem:s11], [sflag:$0x3] =	stream.linear.gather [hbm4b:s9+s4], $0x800, $0x38;
	[tilespmem:$0x1D000] =	vst v63  }
0xbf: {  	_ =	swait.ge [sflag:s10], $0x800  }
0xc0: {  	[sflag:s10] =	ssyncset.done $0x0  }
0xc1: {  	[sflag:s10] =	ssyncadd.s32 $0xFFFFF800  }
0xc2: {  	[tilespmem:s13], [sflag:$0x1] =	stream.indirect.gather [hbm4b:s2+s12], $0x80, s4, s12, $0xb8;
	[tilespmem:$0x1D000] =	vst v63  }
0xc3: {  	_ = 	snop  }
0xc4: {  	[tilespmem:s14], [sflag:$0x2] =	stream.indirect.gather [hbm4b:s2+s12], $0x80, s12, s12, $0xb8;
	[tilespmem:$0x1D000] =	vst v63  }
0xc5: {  	_ =	swait.ge [sflag:s15], $0x4000  }
0xc6: {  	[sflag:s15] =	ssyncset.done $0x0  }
0xc7: {  	[sflag:s15] =	ssyncadd.s32 $0xFFFFC000  }
0xc8: {  	[spmem:s3] =	stream.indirect.scatter.add.f32 [tilespmem:s13], [sflag:$0x3], $0x80, s11, s12, $0xb8;
	[tilespmem:$0x1D000] =	vst v63  }
0xc9: {  	_ =	swait.ge [sflag:s10], $0x4000  }
0xca: {  	[sflag:s10] =	ssyncset.done $0x0  }
0xcb: {  	s9 =	rddreg [dreg:$0x6];
	[sflag:s10] =	ssyncadd.s32 $0xFFFFC000  }
0xcc: {  	[tilespmem:s13], [sflag:$0x1] =	stream.indirect.gather [hbm4b:s2+s12], $0x80, s9, s12, $0xb8;
	[tilespmem:$0x1D000] =	vst v63  }
0xcd: {  	_ =	swait.ge [sflag:s16], $0x4000  }
0xce: {  	[sflag:s16] =	ssyncset.done $0x0  }
0xcf: {  	s9 =	rddreg [dreg:$0x7];
	[sflag:s16] =	ssyncadd.s32 $0xFFFFC000  }
0xd0: {  	[spmem:s3] =	stream.indirect.scatter.add.f32 [tilespmem:s14], [sflag:$0x3], $0x80, s9, s12, $0xb8;
	[tilespmem:$0x1D000] =	vst v63  }
0xd1: {  	_ =	swait.ge [sflag:s10], $0x4000  }
0xd2: {  	[sflag:s10] =	ssyncset.done $0x0  }
0xd3: {  	s9 =	rddreg [dreg:$0x8];
	[sflag:s10] =	ssyncadd.s32 $0xFFFFC000  }
0xd4: {  	[tilespmem:s14], [sflag:$0x2] =	stream.indirect.gather [hbm4b:s2+s12], $0x80, s9, s12, $0xb8;
	[tilespmem:$0x1D000] =	vst v63  }
0xd5: {  	_ =	swait.ge [sflag:s15], $0x4000  }
0xd6: {  	[sflag:s15] =	ssyncset.done $0x0  }
0xd7: {  	s9 =	rddreg [dreg:$0x9];
	[sflag:s15] =	ssyncadd.s32 $0xFFFFC000  }
0xd8: {  	[spmem:s3] =	stream.indirect.scatter.add.f32 [tilespmem:s13], [sflag:$0x3], $0x80, s9, s12, $0xb8;
	[tilespmem:$0x1D000] =	vst v63  }
0xd9: {  	_ =	swait.ge [sflag:s10], $0x4000  }
0xda: {  	[sflag:s10] =	ssyncset.done $0x0  }
0xdb: {  	s9 =	rddreg [dreg:$0xa];
	[sflag:s10] =	ssyncadd.s32 $0xFFFFC000  }
0xdc: {  	[tilespmem:s13], [sflag:$0x1] =	stream.indirect.gather [hbm4b:s2+s12], $0x80, s9, s12, $0xb8;
	[tilespmem:$0x1D000] =	vst v63  }
0xdd: {  	_ =	swait.ge [sflag:s16], $0x4000  }
0xde: {  	[sflag:s16] =	ssyncset.done $0x0  }
0xdf: {  	s9 =	rddreg [dreg:$0xb];
	[sflag:s16] =	ssyncadd.s32 $0xFFFFC000  }
0xe0: {  	[spmem:s3] =	stream.indirect.scatter.add.f32 [tilespmem:s14], [sflag:$0x3], $0x80, s9, s12, $0xb8;
	[tilespmem:$0x1D000] =	vst v63  }
0xe1: {  	_ =	swait.ge [sflag:s10], $0x4000  }
0xe2: {  	[sflag:s10] =	ssyncset.done $0x0  }
0xe3: {  	s9 =	rddreg [dreg:$0xc];
	[sflag:s10] =	ssyncadd.s32 $0xFFFFC000  }
0xe4: {  	[tilespmem:s14], [sflag:$0x2] =	stream.indirect.gather [hbm4b:s2+s12], $0x80, s9, s12, $0xb8;
	[tilespmem:$0x1D000] =	vst v63  }
0xe5: {  	_ =	swait.ge [sflag:s15], $0x4000  }
0xe6: {  	[sflag:s15] =	ssyncset.done $0x0  }
0xe7: {  	s9 =	rddreg [dreg:$0xd];
	[sflag:s15] =	ssyncadd.s32 $0xFFFFC000  }
0xe8: {  	[spmem:s3] =	stream.indirect.scatter.add.f32 [tilespmem:s13], [sflag:$0x3], $0x80, s9, s12, $0xb8;
	[tilespmem:$0x1D000] =	vst v63  }
0xe9: {  	_ =	swait.ge [sflag:s10], $0x4000  }
0xea: {  	[sflag:s10] =	ssyncset.done $0x0  }
0xeb: {  	s9 =	rddreg [dreg:$0xe];
	[sflag:s10] =	ssyncadd.s32 $0xFFFFC000  }
0xec: {  	[tilespmem:s13], [sflag:$0x1] =	stream.indirect.gather [hbm4b:s2+s12], $0x80, s9, s12, $0xb8;
	[tilespmem:$0x1D000] =	vst v63  }
0xed: {  	_ =	swait.ge [sflag:s16], $0x4000  }
0xee: {  	[sflag:s16] =	ssyncset.done $0x0  }
0xef: {  	s9 =	rddreg [dreg:$0xf];
	[sflag:s16] =	ssyncadd.s32 $0xFFFFC000  }
0xf0: {  	[spmem:s3] =	stream.indirect.scatter.add.f32 [tilespmem:s14], [sflag:$0x3], $0x80, s9, s12, $0xb8;
	[tilespmem:$0x1D000] =	vst v63  }
0xf1: {  	_ =	swait.ge [sflag:s10], $0x4000  }
0xf2: {  	[sflag:s10] =	ssyncset.done $0x0  }
0xf3: {  	s9 =	rddreg [dreg:$0x10];
	[sflag:s10] =	ssyncadd.s32 $0xFFFFC000  }
0xf4: {  	[tilespmem:s14], [sflag:$0x2] =	stream.indirect.gather [hbm4b:s2+s12], $0x80, s9, s12, $0xb8;
	[tilespmem:$0x1D000] =	vst v63  }
0xf5: {  	_ =	swait.ge [sflag:s15], $0x4000  }
0xf6: {  	[sflag:s15] =	ssyncset.done $0x0  }
0xf7: {  	s9 =	rddreg [dreg:$0x11];
	[sflag:s15] =	ssyncadd.s32 $0xFFFFC000  }
0xf8: {  	[spmem:s3] =	stream.indirect.scatter.add.f32 [tilespmem:s13], [sflag:$0x3], $0x80, s9, s12, $0xb8;
	[tilespmem:$0x1D000] =	vst v63  }
0xf9: {  	_ =	swait.ge [sflag:s10], $0x4000  }
0xfa: {  	[sflag:s10] =	ssyncset.done $0x0  }
0xfb: {  	[sflag:s10] =	ssyncadd.s32 $0xFFFFC000  }
0xfc: {  	[tilespmem:s13], [sflag:$0x1] =	stream.indirect.gather [hbm4b:s2+s12], $0x80, s17, s12, $0xb8;
	[tilespmem:$0x1D000] =	vst v63  }
0xfd: {  	_ =	swait.ge [sflag:s16], $0x4000  }
0xfe: {  	[sflag:s16] =	ssyncset.done $0x0  }
0xff: {  	[sflag:s16] =	ssyncadd.s32 $0xFFFFC000  }
0x100: {  	[spmem:s3] =	stream.indirect.scatter.add.f32 [tilespmem:s14], [sflag:$0x3], $0x80, s18, s12, $0xb8;
	[tilespmem:$0x1D000] =	vst v63  }
0x101: {  	_ =	swait.ge [sflag:s10], $0x4000  }
0x102: {  	[sflag:s10] =	ssyncset.done $0x0  }
0x103: {  	[sflag:s10] =	ssyncadd.s32 $0xFFFFC000  }
0x104: {  	[tilespmem:s14], [sflag:$0x2] =	stream.indirect.gather [hbm4b:s2+s12], $0x80, s19, s12, $0xb8;
	[tilespmem:$0x1D000] =	vst v63  }
0x105: {  	_ =	swait.ge [sflag:s15], $0x4000  }
0x106: {  	[sflag:s15] =	ssyncset.done $0x0  }
0x107: {  	[sflag:s15] =	ssyncadd.s32 $0xFFFFC000  }
0x108: {  	[spmem:s3] =	stream.indirect.scatter.add.f32 [tilespmem:s13], [sflag:$0x3], $0x80, s20, s12, $0xb8;
	[tilespmem:$0x1D000] =	vst v63  }
0x109: {  	_ =	swait.ge [sflag:s10], $0x4000  }
0x10a: {  	[sflag:s10] =	ssyncset.done $0x0  }
0x10b: {  	[sflag:s10] =	ssyncadd.s32 $0xFFFFC000  }
0x10c: {  	[tilespmem:s13], [sflag:$0x1] =	stream.indirect.gather [hbm4b:s2+s12], $0x80, s21, s12, $0xb8;
	[tilespmem:$0x1D000] =	vst v63  }
0x10d: {  	_ =	swait.ge [sflag:s16], $0x4000  }
0x10e: {  	[sflag:s16] =	ssyncset.done $0x0  }
0x10f: {  	[sflag:s16] =	ssyncadd.s32 $0xFFFFC000  }
0x110: {  	[spmem:s3] =	stream.indirect.scatter.add.f32 [tilespmem:s14], [sflag:$0x3], $0x80, s22, s12, $0xb8;
	[tilespmem:$0x1D000] =	vst v63  }
0x111: {  	_ =	swait.ge [sflag:s10], $0x4000  }
0x112: {  	[sflag:s10] =	ssyncset.done $0x0  }
0x113: {  	[sflag:s10] =	ssyncadd.s32 $0xFFFFC000  }
0x114: {  	[tilespmem:s14], [sflag:$0x2] =	stream.indirect.gather [hbm4b:s2+s12], $0x80, s23, s12, $0xb8;
	[tilespmem:$0x1D000] =	vst v63  }
0x115: {  	_ =	swait.ge [sflag:s15], $0x4000  }
0x116: {  	[sflag:s15] =	ssyncset.done $0x0  }
0x117: {  	[sflag:s15] =	ssyncadd.s32 $0xFFFFC000  }
0x118: {  	[spmem:s3] =	stream.indirect.scatter.add.f32 [tilespmem:s13], [sflag:$0x3], $0x80, s24, s12, $0xb8;
	[tilespmem:$0x1D000] =	vst v63  }
0x119: {  	_ =	swait.ge [sflag:s10], $0x4000  }
0x11a: {  	[sflag:s10] =	ssyncset.done $0x0  }
0x11b: {  	[sflag:s10] =	ssyncadd.s32 $0xFFFFC000  }
0x11c: {  	[tilespmem:s13], [sflag:$0x1] =	stream.indirect.gather [hbm4b:s2+s12], $0x80, s25, s12, $0xb8;
	[tilespmem:$0x1D000] =	vst v63  }
0x11d: {  	_ =	swait.ge [sflag:s16], $0x4000  }
0x11e: {  	[sflag:s16] =	ssyncset.done $0x0  }
0x11f: {  	[sflag:s16] =	ssyncadd.s32 $0xFFFFC000  }
0x120: {  	[spmem:s3] =	stream.indirect.scatter.add.f32 [tilespmem:s14], [sflag:$0x3], $0x80, s26, s12, $0xb8;
	[tilespmem:$0x1D000] =	vst v63  }
0x121: {  	_ =	swait.ge [sflag:s10], $0x4000  }
0x122: {  	[sflag:s10] =	ssyncset.done $0x0  }
0x123: {  	[sflag:s10] =	ssyncadd.s32 $0xFFFFC000  }
0x124: {  	[tilespmem:s14], [sflag:$0x2] =	stream.indirect.gather [hbm4b:s2+s12], $0x80, s28, s12, $0xb8;
	[tilespmem:$0x1D000] =	vst v63  }
0x125: {  	_ =	swait.ge [sflag:s15], $0x4000  }
0x126: {  	[sflag:s15] =	ssyncset.done $0x0  }
0x127: {  	[sflag:s15] =	ssyncadd.s32 $0xFFFFC000  }
0x128: {  	[spmem:s3] =	stream.indirect.scatter.add.f32 [tilespmem:s13], [sflag:$0x3], $0x80, s29, s12, $0xb8;
	[tilespmem:$0x1D000] =	vst v63  }
0x129: {  	_ =	swait.ge [sflag:s10], $0x4000  }
0x12a: {  	[sflag:s10] =	ssyncset.done $0x0  }
0x12b: {  	[sflag:s10] =	ssyncadd.s32 $0xFFFFC000  }
0x12c: {  	[tilespmem:s13], [sflag:$0x1] =	stream.indirect.gather [hbm4b:s2+s12], $0x80, s30, s12, $0xb8;
	[tilespmem:$0x1D000] =	vst v63  }
0x12d: {  	_ =	swait.ge [sflag:s16], $0x4000  }
0x12e: {  	[sflag:s16] =	ssyncset.done $0x0  }
0x12f: {  	[sflag:s16] =	ssyncadd.s32 $0xFFFFC000  }
0x130: {  	[spmem:s3] =	stream.indirect.scatter.add.f32 [tilespmem:s14], [sflag:$0x3], $0x80, s31, s12, $0xb8;
	[tilespmem:$0x1D000] =	vst v63  }
0x131: {  	_ =	swait.ge [sflag:s10], $0x4000  }
0x132: {  	[sflag:s10] =	ssyncset.done $0x0  }
0x133: {  	[sflag:s10] =	ssyncadd.s32 $0xFFFFC000  }
0x134: {  	[tilespmem:s14], [sflag:$0x2] =	stream.indirect.gather [hbm4b:s2+s12], $0x80, s1, s12, $0xb8;
	[tilespmem:$0x1D000] =	vst v63  }
0x135: {  	_ =	swait.ge [sflag:s15], $0x4000  }
0x136: {  	[sflag:s15] =	ssyncset.done $0x0  }
0x137: {  	[sflag:s15] =	ssyncadd.s32 $0xFFFFC000  }
0x138: {  	[spmem:s3] =	stream.indirect.scatter.add.f32 [tilespmem:s13], [sflag:$0x3], $0x80, s0, s12, $0xb8;
	[tilespmem:$0x1D000] =	vst v63  }
0x139: {  	_ =	swait.ge [sflag:s10], $0x4000  }
0x13a: {  	[sflag:s10] =	ssyncset.done $0x0  }
0x13b: {  	[sflag:s10] =	ssyncadd.s32 $0xFFFFC000  }
0x13c: {  	[tilespmem:s13], [sflag:$0x1] =	stream.indirect.gather [hbm4b:s2+s12], $0x80, s1, s12, $0xb8;
	[tilespmem:$0x1D000] =	vst v63  }
0x13d: {  	_ =	swait.ge [sflag:s16], $0x4000  }
0x13e: {  	[sflag:s16] =	ssyncset.done $0x0  }
0x13f: {  	[sflag:s16] =	ssyncadd.s32 $0xFFFFC000  }
0x140: {  	[spmem:s3] =	stream.indirect.scatter.add.f32 [tilespmem:s14], [sflag:$0x3], $0x80, s5, s12, $0xb8;
	[tilespmem:$0x1D000] =	vst v63  }
0x141: {  	_ =	swait.ge [sflag:s10], $0x4000  }
0x142: {  	[sflag:s10] =	ssyncset.done $0x0  }
0x143: {  	p0 =	sne.s32 s6, $0x400;
	[sflag:s10] =	ssyncadd.s32 $0xFFFFC000  }
0x144: {  	[tilespmem:s14], [sflag:$0x2] =	stream.indirect.gather [hbm4b:s2+s12], $0x80, s1, s12, $0xb8;
	[tilespmem:$0x1D000] =	vst v63  }
.Ltmp0:
0x145: {  	_ =	swait.ge [sflag:s15], $0x4000;
	(pc) =	sbr.rel @p0 .LBB2_2-.Ltmp0, $4  }
0x146: {  	[sflag:s15] =	ssyncset.done $0x0  }
0x147: {  	[sflag:s15] =	ssyncadd.s32 $0xFFFFC000  }
0x148: {  	s7 =	smov.u32 s6;
	s6 =	sadd.s32 $0x100, s6;
	_ =	swait.ge [sflag:s16], $0x4000  }
0x149: {  	s8 =	smov.u32 s7;
	s9 =	rddreg [dreg:$0x5];
	[sflag:s16] =	ssyncset.done $0x0  }
0x14a: {  	[sflag:s16] =	ssyncadd.s32 $0xFFFFC000;
	s6 =	sadd.s32 s8, s9  }
0x14b: {  	[tilespmem:s4], [sflag:$0x3] =	stream.linear.gather [hbm4b:s6+s4], $0x800, $0x38;
	[tilespmem:$0x1D000] =	vst v63  }
0x14c: {  	_ =	swait.ge [sflag:s10], $0x800  }
0x14d: {  	s7 =	rddreg [dreg:$0x4];
	[sflag:s10] =	ssyncset.done $0x0  }
0x14e: {  	s6 =	sadd.s32 s8, s7;
	[sflag:s10] =	ssyncadd.s32 $0xFFFFF800  }
0x14f: {  	[tilespmem:s11], [sflag:$0x3] =	stream.linear.gather [hbm4b:s6+s4], $0x800, $0x38;
	[tilespmem:$0x1D000] =	vst v63  }
0x150: {  	_ =	swait.ge [sflag:s10], $0x800  }
0x151: {  	[sflag:s10] =	ssyncset.done $0x0  }
0x152: {  	[sflag:s10] =	ssyncadd.s32 $0xFFFFF800  }
0x153: {  	[tilespmem:s13], [sflag:$0x1] =	stream.indirect.gather [hbm4b:s2+s12], $0x80, s4, s12, $0xb8;
	[tilespmem:$0x1D000] =	vst v63  }
0x154: {  	_ = 	snop  }
0x155: {  	[tilespmem:s14], [sflag:$0x2] =	stream.indirect.gather [hbm4b:s2+s12], $0x80, s12, s12, $0xb8;
	[tilespmem:$0x1D000] =	vst v63  }
0x156: {  	_ =	swait.ge [sflag:s15], $0x4000  }
0x157: {  	[sflag:s15] =	ssyncset.done $0x0  }
0x158: {  	[sflag:s15] =	ssyncadd.s32 $0xFFFFC000  }
0x159: {  	[spmem:s3] =	stream.indirect.scatter.add.f32 [tilespmem:s13], [sflag:$0x3], $0x80, s11, s12, $0xb8;
	[tilespmem:$0x1D000] =	vst v63  }
0x15a: {  	_ =	swait.ge [sflag:s10], $0x4000  }
0x15b: {  	[sflag:s10] =	ssyncset.done $0x0  }
0x15c: {  	s9 =	rddreg [dreg:$0x6];
	[sflag:s10] =	ssyncadd.s32 $0xFFFFC000  }
0x15d: {  	[tilespmem:s13], [sflag:$0x1] =	stream.indirect.gather [hbm4b:s2+s12], $0x80, s9, s12, $0xb8;
	[tilespmem:$0x1D000] =	vst v63  }
0x15e: {  	_ =	swait.ge [sflag:s16], $0x4000  }
0x15f: {  	[sflag:s16] =	ssyncset.done $0x0  }
0x160: {  	s7 =	rddreg [dreg:$0x7];
	[sflag:s16] =	ssyncadd.s32 $0xFFFFC000  }
0x161: {  	[spmem:s3] =	stream.indirect.scatter.add.f32 [tilespmem:s14], [sflag:$0x3], $0x80, s7, s12, $0xb8;
	[tilespmem:$0x1D000] =	vst v63  }
0x162: {  	_ =	swait.ge [sflag:s10], $0x4000  }
0x163: {  	[sflag:s10] =	ssyncset.done $0x0  }
0x164: {  	s8 =	rddreg [dreg:$0x8];
	[sflag:s10] =	ssyncadd.s32 $0xFFFFC000  }
0x165: {  	[tilespmem:s14], [sflag:$0x2] =	stream.indirect.gather [hbm4b:s2+s12], $0x80, s8, s12, $0xb8;
	[tilespmem:$0x1D000] =	vst v63  }
0x166: {  	_ =	swait.ge [sflag:s15], $0x4000  }
0x167: {  	[sflag:s15] =	ssyncset.done $0x0  }
0x168: {  	s9 =	rddreg [dreg:$0x9];
	[sflag:s15] =	ssyncadd.s32 $0xFFFFC000  }
0x169: {  	[spmem:s3] =	stream.indirect.scatter.add.f32 [tilespmem:s13], [sflag:$0x3], $0x80, s9, s12, $0xb8;
	[tilespmem:$0x1D000] =	vst v63  }
0x16a: {  	_ =	swait.ge [sflag:s10], $0x4000  }
0x16b: {  	[sflag:s10] =	ssyncset.done $0x0  }
0x16c: {  	s7 =	rddreg [dreg:$0xa];
	[sflag:s10] =	ssyncadd.s32 $0xFFFFC000  }
0x16d: {  	[tilespmem:s13], [sflag:$0x1] =	stream.indirect.gather [hbm4b:s2+s12], $0x80, s7, s12, $0xb8;
	[tilespmem:$0x1D000] =	vst v63  }
0x16e: {  	_ =	swait.ge [sflag:s16], $0x4000  }
0x16f: {  	[sflag:s16] =	ssyncset.done $0x0  }
0x170: {  	s8 =	rddreg [dreg:$0xb];
	[sflag:s16] =	ssyncadd.s32 $0xFFFFC000  }
0x171: {  	[spmem:s3] =	stream.indirect.scatter.add.f32 [tilespmem:s14], [sflag:$0x3], $0x80, s8, s12, $0xb8;
	[tilespmem:$0x1D000] =	vst v63  }
0x172: {  	_ =	swait.ge [sflag:s10], $0x4000  }
0x173: {  	[sflag:s10] =	ssyncset.done $0x0  }
0x174: {  	s9 =	rddreg [dreg:$0xc];
	[sflag:s10] =	ssyncadd.s32 $0xFFFFC000  }
0x175: {  	[tilespmem:s14], [sflag:$0x2] =	stream.indirect.gather [hbm4b:s2+s12], $0x80, s9, s12, $0xb8;
	[tilespmem:$0x1D000] =	vst v63  }
0x176: {  	_ =	swait.ge [sflag:s15], $0x4000  }
0x177: {  	[sflag:s15] =	ssyncset.done $0x0  }
0x178: {  	s7 =	rddreg [dreg:$0xd];
	[sflag:s15] =	ssyncadd.s32 $0xFFFFC000  }
0x179: {  	[spmem:s3] =	stream.indirect.scatter.add.f32 [tilespmem:s13], [sflag:$0x3], $0x80, s7, s12, $0xb8;
	[tilespmem:$0x1D000] =	vst v63  }
0x17a: {  	_ =	swait.ge [sflag:s10], $0x4000  }
0x17b: {  	[sflag:s10] =	ssyncset.done $0x0  }
0x17c: {  	s8 =	rddreg [dreg:$0xe];
	[sflag:s10] =	ssyncadd.s32 $0xFFFFC000  }
0x17d: {  	[tilespmem:s13], [sflag:$0x1] =	stream.indirect.gather [hbm4b:s2+s12], $0x80, s8, s12, $0xb8;
	[tilespmem:$0x1D000] =	vst v63  }
0x17e: {  	_ =	swait.ge [sflag:s16], $0x4000  }
0x17f: {  	[sflag:s16] =	ssyncset.done $0x0  }
0x180: {  	s9 =	rddreg [dreg:$0xf];
	[sflag:s16] =	ssyncadd.s32 $0xFFFFC000  }
0x181: {  	[spmem:s3] =	stream.indirect.scatter.add.f32 [tilespmem:s14], [sflag:$0x3], $0x80, s9, s12, $0xb8;
	[tilespmem:$0x1D000] =	vst v63  }
0x182: {  	_ =	swait.ge [sflag:s10], $0x4000  }
0x183: {  	[sflag:s10] =	ssyncset.done $0x0  }
0x184: {  	s7 =	rddreg [dreg:$0x10];
	[sflag:s10] =	ssyncadd.s32 $0xFFFFC000  }
0x185: {  	[tilespmem:s14], [sflag:$0x2] =	stream.indirect.gather [hbm4b:s2+s12], $0x80, s7, s12, $0xb8;
	[tilespmem:$0x1D000] =	vst v63  }
0x186: {  	_ =	swait.ge [sflag:s15], $0x4000  }
0x187: {  	[sflag:s15] =	ssyncset.done $0x0  }
0x188: {  	s8 =	rddreg [dreg:$0x11];
	[sflag:s15] =	ssyncadd.s32 $0xFFFFC000  }
0x189: {  	[spmem:s3] =	stream.indirect.scatter.add.f32 [tilespmem:s13], [sflag:$0x3], $0x80, s8, s12, $0xb8;
	[tilespmem:$0x1D000] =	vst v63  }
0x18a: {  	_ =	swait.ge [sflag:s10], $0x4000  }
0x18b: {  	[sflag:s10] =	ssyncset.done $0x0  }
0x18c: {  	[sflag:s10] =	ssyncadd.s32 $0xFFFFC000  }
0x18d: {  	[tilespmem:s13], [sflag:$0x1] =	stream.indirect.gather [hbm4b:s2+s12], $0x80, s17, s12, $0xb8;
	[tilespmem:$0x1D000] =	vst v63  }
0x18e: {  	_ =	swait.ge [sflag:s16], $0x4000  }
0x18f: {  	[sflag:s16] =	ssyncset.done $0x0  }
0x190: {  	[sflag:s16] =	ssyncadd.s32 $0xFFFFC000  }
0x191: {  	[spmem:s3] =	stream.indirect.scatter.add.f32 [tilespmem:s14], [sflag:$0x3], $0x80, s18, s12, $0xb8;
	[tilespmem:$0x1D000] =	vst v63  }
0x192: {  	_ =	swait.ge [sflag:s10], $0x4000  }
0x193: {  	[sflag:s10] =	ssyncset.done $0x0  }
0x194: {  	[sflag:s10] =	ssyncadd.s32 $0xFFFFC000  }
0x195: {  	[tilespmem:s14], [sflag:$0x2] =	stream.indirect.gather [hbm4b:s2+s12], $0x80, s19, s12, $0xb8;
	[tilespmem:$0x1D000] =	vst v63  }
0x196: {  	_ =	swait.ge [sflag:s15], $0x4000  }
0x197: {  	[sflag:s15] =	ssyncset.done $0x0  }
0x198: {  	[sflag:s15] =	ssyncadd.s32 $0xFFFFC000  }
0x199: {  	[spmem:s3] =	stream.indirect.scatter.add.f32 [tilespmem:s13], [sflag:$0x3], $0x80, s20, s12, $0xb8;
	[tilespmem:$0x1D000] =	vst v63  }
0x19a: {  	_ =	swait.ge [sflag:s10], $0x4000  }
0x19b: {  	[sflag:s10] =	ssyncset.done $0x0  }
0x19c: {  	[sflag:s10] =	ssyncadd.s32 $0xFFFFC000  }
0x19d: {  	[tilespmem:s13], [sflag:$0x1] =	stream.indirect.gather [hbm4b:s2+s12], $0x80, s21, s12, $0xb8;
	[tilespmem:$0x1D000] =	vst v63  }
0x19e: {  	_ =	swait.ge [sflag:s16], $0x4000  }
0x19f: {  	[sflag:s16] =	ssyncset.done $0x0  }
0x1a0: {  	[sflag:s16] =	ssyncadd.s32 $0xFFFFC000  }
0x1a1: {  	[spmem:s3] =	stream.indirect.scatter.add.f32 [tilespmem:s14], [sflag:$0x3], $0x80, s22, s12, $0xb8;
	[tilespmem:$0x1D000] =	vst v63  }
0x1a2: {  	_ =	swait.ge [sflag:s10], $0x4000  }
0x1a3: {  	[sflag:s10] =	ssyncset.done $0x0  }
0x1a4: {  	[sflag:s10] =	ssyncadd.s32 $0xFFFFC000  }
0x1a5: {  	[tilespmem:s14], [sflag:$0x2] =	stream.indirect.gather [hbm4b:s2+s12], $0x80, s23, s12, $0xb8;
	[tilespmem:$0x1D000] =	vst v63  }
0x1a6: {  	_ =	swait.ge [sflag:s15], $0x4000  }
0x1a7: {  	[sflag:s15] =	ssyncset.done $0x0  }
0x1a8: {  	[sflag:s15] =	ssyncadd.s32 $0xFFFFC000  }
0x1a9: {  	[spmem:s3] =	stream.indirect.scatter.add.f32 [tilespmem:s13], [sflag:$0x3], $0x80, s24, s12, $0xb8;
	[tilespmem:$0x1D000] =	vst v63  }
0x1aa: {  	_ =	swait.ge [sflag:s10], $0x4000  }
0x1ab: {  	[sflag:s10] =	ssyncset.done $0x0  }
0x1ac: {  	[sflag:s10] =	ssyncadd.s32 $0xFFFFC000  }
0x1ad: {  	[tilespmem:s13], [sflag:$0x1] =	stream.indirect.gather [hbm4b:s2+s12], $0x80, s25, s12, $0xb8;
	[tilespmem:$0x1D000] =	vst v63  }
0x1ae: {  	_ =	swait.ge [sflag:s16], $0x4000  }
0x1af: {  	[sflag:s16] =	ssyncset.done $0x0  }
0x1b0: {  	[sflag:s16] =	ssyncadd.s32 $0xFFFFC000  }
0x1b1: {  	[spmem:s3] =	stream.indirect.scatter.add.f32 [tilespmem:s14], [sflag:$0x3], $0x80, s26, s12, $0xb8;
	[tilespmem:$0x1D000] =	vst v63  }
0x1b2: {  	_ =	swait.ge [sflag:s10], $0x4000  }
0x1b3: {  	[sflag:s10] =	ssyncset.done $0x0  }
0x1b4: {  	[sflag:s10] =	ssyncadd.s32 $0xFFFFC000  }
0x1b5: {  	[tilespmem:s14], [sflag:$0x2] =	stream.indirect.gather [hbm4b:s2+s12], $0x80, s28, s12, $0xb8;
	[tilespmem:$0x1D000] =	vst v63  }
0x1b6: {  	_ =	swait.ge [sflag:s15], $0x4000  }
0x1b7: {  	[sflag:s15] =	ssyncset.done $0x0  }
0x1b8: {  	[sflag:s15] =	ssyncadd.s32 $0xFFFFC000  }
0x1b9: {  	[spmem:s3] =	stream.indirect.scatter.add.f32 [tilespmem:s13], [sflag:$0x3], $0x80, s29, s12, $0xb8;
	[tilespmem:$0x1D000] =	vst v63  }
0x1ba: {  	_ =	swait.ge [sflag:s10], $0x4000  }
0x1bb: {  	[sflag:s10] =	ssyncset.done $0x0  }
0x1bc: {  	[sflag:s10] =	ssyncadd.s32 $0xFFFFC000  }
0x1bd: {  	[tilespmem:s13], [sflag:$0x1] =	stream.indirect.gather [hbm4b:s2+s12], $0x80, s30, s12, $0xb8;
	[tilespmem:$0x1D000] =	vst v63  }
0x1be: {  	_ =	swait.ge [sflag:s16], $0x4000  }
0x1bf: {  	[sflag:s16] =	ssyncset.done $0x0  }
0x1c0: {  	[sflag:s16] =	ssyncadd.s32 $0xFFFFC000  }
0x1c1: {  	[spmem:s3] =	stream.indirect.scatter.add.f32 [tilespmem:s14], [sflag:$0x3], $0x80, s31, s12, $0xb8;
	[tilespmem:$0x1D000] =	vst v63  }
0x1c2: {  	_ =	swait.ge [sflag:s10], $0x4000  }
0x1c3: {  	[sflag:s10] =	ssyncset.done $0x0  }
0x1c4: {  	[sflag:s10] =	ssyncadd.s32 $0xFFFFC000  }
0x1c5: {  	[tilespmem:s14], [sflag:$0x2] =	stream.indirect.gather [hbm4b:s2+s12], $0x80, s1, s12, $0xb8;
	[tilespmem:$0x1D000] =	vst v63  }
0x1c6: {  	_ =	swait.ge [sflag:s15], $0x4000  }
0x1c7: {  	[sflag:s15] =	ssyncset.done $0x0  }
0x1c8: {  	[sflag:s15] =	ssyncadd.s32 $0xFFFFC000  }
0x1c9: {  	[spmem:s3] =	stream.indirect.scatter.add.f32 [tilespmem:s13], [sflag:$0x3], $0x80, s0, s12, $0xb8;
	[tilespmem:$0x1D000] =	vst v63  }
0x1ca: {  	_ =	swait.ge [sflag:s10], $0x4000  }
0x1cb: {  	[sflag:s10] =	ssyncset.done $0x0  }
0x1cc: {  	[sflag:s10] =	ssyncadd.s32 $0xFFFFC000  }
0x1cd: {  	[tilespmem:s13], [sflag:$0x1] =	stream.indirect.gather [hbm4b:s2+s12], $0x80, s1, s12, $0xb8;
	[tilespmem:$0x1D000] =	vst v63  }
0x1ce: {  	_ =	swait.ge [sflag:s16], $0x4000  }
0x1cf: {  	[sflag:s16] =	ssyncset.done $0x0  }
0x1d0: {  	[sflag:s16] =	ssyncadd.s32 $0xFFFFC000  }
0x1d1: {  	[spmem:s3] =	stream.indirect.scatter.add.f32 [tilespmem:s14], [sflag:$0x3], $0x80, s5, s12, $0xb8;
	[tilespmem:$0x1D000] =	vst v63  }
0x1d2: {  	_ =	swait.ge [sflag:s10], $0x4000  }
0x1d3: {  	[sflag:s10] =	ssyncset.done $0x0  }
0x1d4: {  	[sflag:s10] =	ssyncadd.s32 $0xFFFFC000  }
0x1d5: {  	[tilespmem:s14], [sflag:$0x2] =	stream.indirect.gather [hbm4b:s2+s12], $0x80, s1, s12, $0xb8;
	[tilespmem:$0x1D000] =	vst v63  }
0x1d6: {  	_ =	swait.ge [sflag:s15], $0x4000  }
0x1d7: {  	[sflag:s15] =	ssyncset.done $0x0  }
0x1d8: {  	[sflag:s15] =	ssyncadd.s32 $0xFFFFC000  }
0x1d9: {  	_ =	swait.ge [sflag:s16], $0x4000  }
0x1da: {  	[sflag:s16] =	ssyncset.done $0x0  }
0x1db: {  	[sflag:s16] =	ssyncadd.s32 $0xFFFFC000  }
0x1dc: {  	[bflag:$0x0] =	sbarrier.arrive $0xFFFF  }
0x1dd: {  	s7 =	rddreg [dreg:$0x13]  }
0x1de: {  	s9 =	rddreg [dreg:$0x14]  }
0x1df: {  	s8 =	rddreg [dreg:$0x16]  }
0x1e0: {  	[hbm:s9], [sflag:s7] =	dma.local [spmem:s8], $0x2800  }
0x1e1: {  	_ =	swait.ge [sflag:s10], $0x2800  }
0x1e2: {  	s6 =	rddreg [dreg:$0x17]  }
0x1e3: {  	s9 =	sadd.s32 $0x1, s6;
	s6 =	rddreg [dreg:$0x15]  }
0x1e4: {  	p0 =	sne.s32 s9, s6  }
.Ltmp1:
0x1e5: {  	_ = 	snop;
	(pc) =	sbr.rel @p0 .LBB2_1-.Ltmp1, $3  }
0x1e6: {  	_ =	sdelay $0x1  }
0x1e7: {  	[sflag:s10] =	ssyncset.done $0x0  }
0x1e8: {  	[sflag:s10] =	ssyncadd.s32 $0xFFFFD800  }
0x1e9: {  	_ =	sfence.sel $0x180000  }
0x1ea: {  	[bflag:$0x0] =	sbarrier.arrive $0xFFFF  }
0x1eb: {  	_ =	strace $0x90000047  }
0x1ec: {  	s0 =	stileid.u32;
	[bflag:$0x2] =	sbarrier.arrive $0xFFFF  }
0x1ed: {  	p0 =	sne.s32 s0, $0x0;
	s0 =	rddreg [dreg:$0x3]  }
0x1ee: {  	s0 =	sadd.s32 @!p0 $0x100000, s0  }
0x1ef: {  	[sflag:s0] =	ssyncadd.tile.s32 @!p0 $0x1;
	_ =	shalt  }
.Lfunc_end2:
_tile_overlayer_lowered:
.L_overlay_start_2:
0x1f0: {  	(tag) =	ssettag $0x2  }
0x1f1: {  	s0 =	rddreg [dreg:$0x0];
	s2 =	stileid.u32  }
0x1f2: {  	s1 =	rddreg [dreg:$0x1];
	p0 =	sne.s32 s2, $0x0  }
0x1f3: {  	s3 =	rddreg [dreg:$0x2];
	[bflag:$0x3] =	sbarrier.arrive $0xFFFF;
	s2 =	simm.s32 @!p0 $0x1C03  }
0x1f4: {  	[timem:s3], [sflag:s2] =	dma.local @!p0 [hbm:s0], s1  }
0x1f5: {  	s0 =	simm.s32 @!p0 $0x3  }
0x1f6: {  	_ =	swait.ge @!p0 [sflag:s0], s1  }
0x1f7: {  	s1 =	ssub.s32 @!p0 $0x0, s1;
	[sflag:s0] =	ssyncset.done @!p0 $0x0  }
0x1f8: {  	[sflag:s0] =	ssyncadd.s32 @!p0 s1  }
0x1f9: {  	[bflag:$0x3] =	sbarrier.arrive $0xFFFF  }
0x1fa: {  	_ =	shalt  }

</sc_bundles>
